<compile_context>
chip_gen: v7x
topology: tpu7x:2x2x1
jax: 0.10.2.dev20260603
libtpu: 0.0.44.dev20260713+nightly
codegen_flags: <defaults>
</compile_context>

<pallas_src>
import functools

import jax
import jax.numpy as jnp
from jax import lax
from jax.experimental import pallas as pl
from jax.experimental.pallas import tpu as pltpu
from jax.experimental.pallas import tpu_sc as plsc

N_EMB = 512
LATENT = 32
HW_BLK = 4096


def _argmin_body(z_ref, emb_ref, out_ref, embt_ref):
    zb = z_ref[0].reshape(LATENT, HW_BLK)
    e = emb_ref[...]

    @pl.when(jnp.logical_and(pl.program_id(0) == 0, pl.program_id(1) == 0))
    def _():
        embt_ref[...] = e.T

    ez = lax.dot_general(e, zb, (((1,), (0,)), ((), ())),
                         preferred_element_type=jnp.float32)
    zsq = jnp.sum(zb * zb, axis=0, keepdims=True)
    esq = jnp.sum(e * e, axis=1, keepdims=True)
    dist = ((0.5 * zsq) + (0.5 * esq)) - ez
    out_ref[0, 0, 0] = jnp.argmin(dist, axis=0).astype(jnp.int32)


def _tc_argmin(z4, emb_weight):
    bs, c, h, w = z4.shape
    hw = h * w
    nblk = hw // HW_BLK
    hblk = HW_BLK // w
    out = pl.pallas_call(
        _argmin_body,
        grid=(bs, nblk),
        in_specs=[
            pl.BlockSpec((1, c, hblk, w), lambda b, j: (b, 0, j, 0)),
            pl.BlockSpec((N_EMB, LATENT), lambda b, j: (0, 0)),
        ],
        out_specs=[
            pl.BlockSpec((1, 1, 1, HW_BLK), lambda b, j: (b, j, 0, 0)),
            pl.BlockSpec((LATENT, N_EMB), lambda b, j: (0, 0)),
        ],
        out_shape=[
            jax.ShapeDtypeStruct((bs, nblk, 1, HW_BLK), jnp.int32),
            jax.ShapeDtypeStruct((LATENT, N_EMB), jnp.float32),
        ],
    )(z4, emb_weight)
    return out[0].reshape(bs * hw), out[1]


_info = plsc.get_sparse_core_info()
_NC, _NS, _L = _info.num_cores, _info.num_subcores, _info.num_lanes
_NW = _NC * _NS
_HW = 64 * 64

_mesh = plsc.VectorSubcoreMesh(core_axis_name="c", subcore_axis_name="s")


@functools.cache
def _make_sc_gather(bs):
    n_tok = bs * _HW
    bpw = n_tok // _NW
    slices = _HW // bpw

    @functools.partial(
        pl.kernel,
        mesh=_mesh,
        out_type=jax.ShapeDtypeStruct((bs, LATENT, _HW), jnp.float32),
        scratch_types=[
            pltpu.VMEM((bpw,), jnp.int32),
            pltpu.VMEM((LATENT, N_EMB), jnp.float32),
            pltpu.VMEM((LATENT, bpw), jnp.float32),
        ],
        compiler_params=pltpu.CompilerParams(use_tc_tiling_on_sc=False,
                                             needs_layout_passes=False),
    )
    def _sc_gather_t(table_hbm, idx_hbm, out_hbm, idx_v, embt_v, out_v):
        wid = lax.axis_index("s") * _NC + lax.axis_index("c")
        b = wid // slices
        off = (wid % slices) * bpw
        pltpu.sync_copy(idx_hbm.at[pl.ds(wid * bpw, bpw)], idx_v)
        pltpu.sync_copy(table_hbm, embt_v)

        @plsc.parallel_loop(0, bpw // _L, unroll=1)
        def _step(j):
            iv = idx_v[pl.ds(j * _L, _L)]
            for c in range(LATENT):
                col = jnp.full((_L,), c, jnp.int32)
                out_v[c, pl.ds(j * _L, _L)] = plsc.load_gather(embt_v, [col, iv])
        pltpu.sync_copy(out_v, out_hbm.at[b, :, pl.ds(off, bpw)])

    return _sc_gather_t


N_CHUNKS = 1


def kernel(z, emb_weight):
    bs, c, h, w = z.shape
    cb = bs // N_CHUNKS
    gather = _make_sc_gather(cb)
    parts = []
    for k in range(N_CHUNKS):
        inds, embt = _tc_argmin(z[k * cb:(k + 1) * cb], emb_weight)
        parts.append(gather(embt, inds))
    zq = parts[0] if N_CHUNKS == 1 else jnp.concatenate(parts, axis=0)
    return zq.reshape(bs, c, h, w)

# --- scband reference (transcript-rebuilt; emitter-appended) ---
"""Pipeline reference for scband-vector-quantizer-26551487824163 (READ-ONLY COPY).

The authoritative reference and input builder live on the scoring server;
editing this copy changes nothing except your own understanding.
"""

import jax, jax.numpy as jnp
import numpy as np

N_EMB = 512
LATENT_DIM = 32

def setup_inputs(seed: int = 0) -> dict:
    key = jax.random.key(seed)
    k1, k2 = jax.random.split(key)
    z = jax.random.normal(k1, (16, 32, 64, 64), dtype=jnp.float32)
    emb_weight = jax.random.uniform(k2, (N_EMB, LATENT_DIM), dtype=jnp.float32,
                                    minval=-1.0 / LATENT_DIM, maxval=1.0 / LATENT_DIM)
    return {"z": z, "emb_weight": emb_weight}

def reference(z, emb_weight):
    bs, c, h, w = z.shape
    # rearrange 'b c h w -> (b h w) c'
    z_flat = jnp.transpose(z, (0, 2, 3, 1)).reshape(bs * h * w, c)
    z_sq = jnp.sum(z_flat ** 2, axis=1, keepdims=True)
    e_sq = jnp.sum(emb_weight ** 2, axis=1)
    e_z = jnp.matmul(z_flat, emb_weight.T)
    distances = z_sq + e_sq - 2.0 * e_z
    argmin_inds = jnp.argmin(distances, axis=1)
    argmin_one_hot = jax.nn.one_hot(argmin_inds, N_EMB, dtype=jnp.float32)
    z_q = jnp.matmul(argmin_one_hot, emb_weight)
    # rearrange '(b h w) c -> b c h w'
    z_q = z_q.reshape(bs, h, w, c)
    z_q = jnp.transpose(z_q, (0, 3, 1, 2))
    return z_q

if __name__ == "__main__":
    import jax
    _d = setup_inputs()
    print(jax.jit(kernel)(*tuple(_d.values())))

</pallas_src>

<mosaic_0001>
#map = affine_map<(d0, d1) -> (0, 0)>
#map1 = affine_map<(d0, d1) -> (0)>
#map2 = affine_map<(d0, d1) -> (0, 0, 0)>
module attributes {stable_mosaic.version = 14 : i64} {
  func.func @_sc_gather_t(%arg0: i32, %arg1: i32, %arg2: memref<32x512xf32, #tpu.memory_space<hbm>>, %arg3: memref<65536xi32, #tpu.memory_space<hbm>>, %arg4: memref<16x32x4096xf32, #tpu.memory_space<hbm>>, %arg5: memref<2048xi32, #tpu.memory_space<vmem>>, %arg6: memref<32x512xf32, #tpu.memory_space<vmem>>, %arg7: memref<32x2048xf32, #tpu.memory_space<vmem>>) attributes {dimension_semantics = [#tpu.dimension_semantics<core_parallel>, #tpu.dimension_semantics<subcore_parallel>], iteration_bounds = array<i64: 2, 16>, scalar_prefetch = 0 : i64, scratch_operands = 3 : i64, tpu.core_type = #tpu.core_type<sc_vector_subcore>, window_params = [{transform_indices = #map}, {transform_indices = #map1}, {transform_indices = #map2}]} {
    %mul3A = arith.constant 2 : i32
    %mul3A_0 = arith.muli %arg1, %mul3A : i32
    %add3A = arith.addi %mul3A_0, %arg0 : i32
    %jit3A = arith.constant 2 : i32
    %div3A = arith.divsi %add3A, %jit3A : i32
    %sign3A = arith.constant 0 : i32
    %sign3A_1 = arith.cmpi sgt, %add3A, %sign3A : i32
    %sign3A_2 = arith.extui %sign3A_1 : i1 to i32
    %sign3A_3 = arith.constant 0 : i32
    %sign3A_4 = arith.cmpi slt, %add3A, %sign3A_3 : i32
    %sign3A_5 = arith.extui %sign3A_4 : i1 to i32
    %sign3A_6 = arith.subi %sign3A_2, %sign3A_5 : i32
    %sign3A_7 = arith.constant 0 : i32
    %sign3A_8 = arith.cmpi sgt, %jit3A, %sign3A_7 : i32
    %sign3A_9 = arith.extui %sign3A_8 : i1 to i32
    %sign3A_10 = arith.constant 0 : i32
    %sign3A_11 = arith.cmpi slt, %jit3A, %sign3A_10 : i32
    %sign3A_12 = arith.extui %sign3A_11 : i1 to i32
    %sign3A_13 = arith.subi %sign3A_9, %sign3A_12 : i32
    %ne3A = arith.cmpi ne, %sign3A_6, %sign3A_13 : i32
    %rem3A = arith.remsi %add3A, %jit3A : i32
    %ne3A_14 = arith.constant 0 : i32
    %ne3A_15 = arith.cmpi ne, %rem3A, %ne3A_14 : i32
    %and3A = arith.andi %ne3A, %ne3A_15 : i1
    %sub3A = arith.constant 1 : i32
    %sub3A_16 = arith.subi %div3A, %sub3A : i32
    %select_n3A = arith.select %and3A, %sub3A_16, %div3A : i32
    %jit3A_17 = arith.constant 2 : i32
    %eq3A = arith.constant 0 : i32
    %eq3A_18 = arith.cmpi eq, %jit3A_17, %eq3A : i32
    %jit3A_19 = arith.constant 1 : i32
    %select_n3A_20 = arith.select %eq3A_18, %jit3A_19, %jit3A_17 : i32
    %rem3A_21 = arith.remsi %add3A, %select_n3A_20 : i32
    %ne3A_22 = arith.constant 0 : i32
    %ne3A_23 = arith.cmpi ne, %rem3A_21, %ne3A_22 : i32
    %lt3A = arith.constant 0 : i32
    %lt3A_24 = arith.cmpi slt, %rem3A_21, %lt3A : i32
    %lt3A_25 = arith.constant 0 : i32
    %lt3A_26 = arith.cmpi slt, %select_n3A_20, %lt3A_25 : i32
    %ne3A_27 = arith.xori %lt3A_24, %lt3A_26 : i1
    %and3A_28 = arith.andi %ne3A_27, %ne3A_23 : i1
    %add3A_29 = arith.addi %rem3A_21, %select_n3A_20 : i32
    %select_n3A_30 = arith.select %and3A_28, %add3A_29, %rem3A_21 : i32
    %mul3A_31 = arith.constant 2048 : i32
    %mul3A_32 = arith.muli %select_n3A_30, %mul3A_31 : i32
    %mul3A_33 = arith.constant 2048 : i32
    %mul3A_34 = arith.muli %add3A, %mul3A_33 : i32
    "tpu.region"() ({
      %run_scoped3A = tpu.sem_alloc : memref<!tpu.dma_semaphore, #tpu.memory_space<semaphore_mem>>
      %dma_start3A = tpu.memref_slice %arg3[%mul3A_34] : memref<65536xi32, #tpu.memory_space<hbm>> -> memref<2048xi32, #tpu.memory_space<hbm>>
      %dma_start3A_37 = tpu.memref_slice %arg3[%mul3A_34] : memref<65536xi32, #tpu.memory_space<hbm>> -> memref<2048xi32, #tpu.memory_space<hbm>>
      tpu.enqueue_dma source(%dma_start3A_37 : memref<2048xi32, #tpu.memory_space<hbm>>) target(%arg5 : memref<2048xi32, #tpu.memory_space<vmem>>) target_semaphore(%run_scoped3A : memref<!tpu.dma_semaphore, #tpu.memory_space<semaphore_mem>>)
      %dma_wait3A = tpu.memref_slice %arg3[%mul3A_34] : memref<65536xi32, #tpu.memory_space<hbm>> -> memref<2048xi32, #tpu.memory_space<hbm>>
      %dma_wait3A_38 = tpu.memref_slice %arg3[%mul3A_34] : memref<65536xi32, #tpu.memory_space<hbm>> -> memref<2048xi32, #tpu.memory_space<hbm>>
      tpu.wait_dma2 semaphore(%run_scoped3A : memref<!tpu.dma_semaphore, #tpu.memory_space<semaphore_mem>>) src(%dma_wait3A_38 : memref<2048xi32, #tpu.memory_space<hbm>>) dst(%arg5 : memref<2048xi32, #tpu.memory_space<vmem>>)
      tpu.yield
    }) : () -> ()
    "tpu.region"() ({
      %run_scoped3A = tpu.sem_alloc : memref<!tpu.dma_semaphore, #tpu.memory_space<semaphore_mem>>
      tpu.enqueue_dma source(%arg2 : memref<32x512xf32, #tpu.memory_space<hbm>>) target(%arg6 : memref<32x512xf32, #tpu.memory_space<vmem>>) target_semaphore(%run_scoped3A : memref<!tpu.dma_semaphore, #tpu.memory_space<semaphore_mem>>)
      tpu.wait_dma2 semaphore(%run_scoped3A : memref<!tpu.dma_semaphore, #tpu.memory_space<semaphore_mem>>) src(%arg2 : memref<32x512xf32, #tpu.memory_space<hbm>>) dst(%arg6 : memref<32x512xf32, #tpu.memory_space<vmem>>)
      tpu.yield
    }) : () -> ()
    %parallel_loop3A = arith.constant 0 : i32
    %parallel_loop3A_35 = arith.constant 128 : i32
    %parallel_loop3A_36 = arith.constant 1 : i32
    scf.for %parallel_loop3A_37 = %parallel_loop3A to %parallel_loop3A_35 step %parallel_loop3A_36  : i32 {
      %parallel_loop3A_38 = arith.constant 16 : i32
      %parallel_loop3A_39 = arith.muli %parallel_loop3A_37, %parallel_loop3A_38 : i32
      %parallel_loop3A_40 = arith.index_cast %parallel_loop3A_39 : i32 to index
      %parallel_loop3A_41 = tpu.vector_load %arg5[%parallel_loop3A_40] {strides = array<i32>} : memref<2048xi32, #tpu.memory_space<vmem>>, vector<16xi32>,
      %parallel_loop3A_42 = arith.constant 0 : i32
      %parallel_loop3A_43 = vector.broadcast %parallel_loop3A_42 : i32 to vector<16xi32>
      %parallel_loop3A_44 = tpu.vector_load_idx %arg6[%parallel_loop3A_43, %parallel_loop3A_41] : memref<32x512xf32, #tpu.memory_space<vmem>>[vector<16xi32>, vector<16xi32>], vector<16xf32>,
      %parallel_loop3A_45 = arith.constant 16 : i32
      %parallel_loop3A_46 = arith.muli %parallel_loop3A_37, %parallel_loop3A_45 : i32
      %parallel_loop3A_47 = arith.constant 0 : i32
      %parallel_loop3A_48 = arith.index_cast %parallel_loop3A_47 : i32 to index
      %parallel_loop3A_49 = arith.index_cast %parallel_loop3A_46 : i32 to index
      %parallel_loop3A_50 = tpu.vector_load %arg7[%parallel_loop3A_48, %parallel_loop3A_49] {strides = array<i32>} : memref<32x2048xf32, #tpu.memory_space<vmem>>, vector<16xf32>,
      tpu.vector_store %arg7[%parallel_loop3A_48, %parallel_loop3A_49], %parallel_loop3A_44 {strides = array<i32>} : memref<32x2048xf32, #tpu.memory_space<vmem>>, vector<16xf32>,
      %parallel_loop3A_51 = arith.constant 1 : i32
      %parallel_loop3A_52 = vector.broadcast %parallel_loop3A_51 : i32 to vector<16xi32>
      %parallel_loop3A_53 = tpu.vector_load_idx %arg6[%parallel_loop3A_52, %parallel_loop3A_41] : memref<32x512xf32, #tpu.memory_space<vmem>>[vector<16xi32>, vector<16xi32>], vector<16xf32>,
      %parallel_loop3A_54 = arith.constant 16 : i32
      %parallel_loop3A_55 = arith.muli %parallel_loop3A_37, %parallel_loop3A_54 : i32
      %parallel_loop3A_56 = arith.constant 1 : i32
      %parallel_loop3A_57 = arith.index_cast %parallel_loop3A_56 : i32 to index
      %parallel_loop3A_58 = arith.index_cast %parallel_loop3A_55 : i32 to index
      %parallel_loop3A_59 = tpu.vector_load %arg7[%parallel_loop3A_57, %parallel_loop3A_58] {strides = array<i32>} : memref<32x2048xf32, #tpu.memory_space<vmem>>, vector<16xf32>,
      tpu.vector_store %arg7[%parallel_loop3A_57, %parallel_loop3A_58], %parallel_loop3A_53 {strides = array<i32>} : memref<32x2048xf32, #tpu.memory_space<vmem>>, vector<16xf32>,
      %parallel_loop3A_60 = arith.constant 2 : i32
      %parallel_loop3A_61 = vector.broadcast %parallel_loop3A_60 : i32 to vector<16xi32>
      %parallel_loop3A_62 = tpu.vector_load_idx %arg6[%parallel_loop3A_61, %parallel_loop3A_41] : memref<32x512xf32, #tpu.memory_space<vmem>>[vector<16xi32>, vector<16xi32>], vector<16xf32>,
      %parallel_loop3A_63 = arith.constant 16 : i32
      %parallel_loop3A_64 = arith.muli %parallel_loop3A_37, %parallel_loop3A_63 : i32
      %parallel_loop3A_65 = arith.constant 2 : i32
      %parallel_loop3A_66 = arith.index_cast %parallel_loop3A_65 : i32 to index
      %parallel_loop3A_67 = arith.index_cast %parallel_loop3A_64 : i32 to index
      %parallel_loop3A_68 = tpu.vector_load %arg7[%parallel_loop3A_66, %parallel_loop3A_67] {strides = array<i32>} : memref<32x2048xf32, #tpu.memory_space<vmem>>, vector<16xf32>,
      tpu.vector_store %arg7[%parallel_loop3A_66, %parallel_loop3A_67], %parallel_loop3A_62 {strides = array<i32>} : memref<32x2048xf32, #tpu.memory_space<vmem>>, vector<16xf32>,
      %parallel_loop3A_69 = arith.constant 3 : i32
      %parallel_loop3A_70 = vector.broadcast %parallel_loop3A_69 : i32 to vector<16xi32>
      %parallel_loop3A_71 = tpu.vector_load_idx %arg6[%parallel_loop3A_70, %parallel_loop3A_41] : memref<32x512xf32, #tpu.memory_space<vmem>>[vector<16xi32>, vector<16xi32>], vector<16xf32>,
      %parallel_loop3A_72 = arith.constant 16 : i32
      %parallel_loop3A_73 = arith.muli %parallel_loop3A_37, %parallel_loop3A_72 : i32
      %parallel_loop3A_74 = arith.constant 3 : i32
      %parallel_loop3A_75 = arith.index_cast %parallel_loop3A_74 : i32 to index
      %parallel_loop3A_76 = arith.index_cast %parallel_loop3A_73 : i32 to index
      %parallel_loop3A_77 = tpu.vector_load %arg7[%parallel_loop3A_75, %parallel_loop3A_76] {strides = array<i32>} : memref<32x2048xf32, #tpu.memory_space<vmem>>, vector<16xf32>,
      tpu.vector_store %arg7[%parallel_loop3A_75, %parallel_loop3A_76], %parallel_loop3A_71 {strides = array<i32>} : memref<32x2048xf32, #tpu.memory_space<vmem>>, vector<16xf32>,
      %parallel_loop3A_78 = arith.constant 4 : i32
      %parallel_loop3A_79 = vector.broadcast %parallel_loop3A_78 : i32 to vector<16xi32>
      %parallel_loop3A_80 = tpu.vector_load_idx %arg6[%parallel_loop3A_79, %parallel_loop3A_41] : memref<32x512xf32, #tpu.memory_space<vmem>>[vector<16xi32>, vector<16xi32>], vector<16xf32>,
      %parallel_loop3A_81 = arith.constant 16 : i32
      %parallel_loop3A_82 = arith.muli %parallel_loop3A_37, %parallel_loop3A_81 : i32
      %parallel_loop3A_83 = arith.constant 4 : i32
      %parallel_loop3A_84 = arith.index_cast %parallel_loop3A_83 : i32 to index
      %parallel_loop3A_85 = arith.index_cast %parallel_loop3A_82 : i32 to index
      %parallel_loop3A_86 = tpu.vector_load %arg7[%parallel_loop3A_84, %parallel_loop3A_85] {strides = array<i32>} : memref<32x2048xf32, #tpu.memory_space<vmem>>, vector<16xf32>,
      tpu.vector_store %arg7[%parallel_loop3A_84, %parallel_loop3A_85], %parallel_loop3A_80 {strides = array<i32>} : memref<32x2048xf32, #tpu.memory_space<vmem>>, vector<16xf32>,
      %parallel_loop3A_87 = arith.constant 5 : i32
      %parallel_loop3A_88 = vector.broadcast %parallel_loop3A_87 : i32 to vector<16xi32>
      %parallel_loop3A_89 = tpu.vector_load_idx %arg6[%parallel_loop3A_88, %parallel_loop3A_41] : memref<32x512xf32, #tpu.memory_space<vmem>>[vector<16xi32>, vector<16xi32>], vector<16xf32>,
      %parallel_loop3A_90 = arith.constant 16 : i32
      %parallel_loop3A_91 = arith.muli %parallel_loop3A_37, %parallel_loop3A_90 : i32
      %parallel_loop3A_92 = arith.constant 5 : i32
      %parallel_loop3A_93 = arith.index_cast %parallel_loop3A_92 : i32 to index
      %parallel_loop3A_94 = arith.index_cast %parallel_loop3A_91 : i32 to index
      %parallel_loop3A_95 = tpu.vector_load %arg7[%parallel_loop3A_93, %parallel_loop3A_94] {strides = array<i32>} : memref<32x2048xf32, #tpu.memory_space<vmem>>, vector<16xf32>,
      tpu.vector_store %arg7[%parallel_loop3A_93, %parallel_loop3A_94], %parallel_loop3A_89 {strides = array<i32>} : memref<32x2048xf32, #tpu.memory_space<vmem>>, vector<16xf32>,
      %parallel_loop3A_96 = arith.constant 6 : i32
      %parallel_loop3A_97 = vector.broadcast %parallel_loop3A_96 : i32 to vector<16xi32>
      %parallel_loop3A_98 = tpu.vector_load_idx %arg6[%parallel_loop3A_97, %parallel_loop3A_41] : memref<32x512xf32, #tpu.memory_space<vmem>>[vector<16xi32>, vector<16xi32>], vector<16xf32>,
      %parallel_loop3A_99 = arith.constant 16 : i32
      %parallel_loop3A_100 = arith.muli %parallel_loop3A_37, %parallel_loop3A_99 : i32
      %parallel_loop3A_101 = arith.constant 6 : i32
      %parallel_loop3A_102 = arith.index_cast %parallel_loop3A_101 : i32 to index
      %parallel_loop3A_103 = arith.index_cast %parallel_loop3A_100 : i32 to index
      %parallel_loop3A_104 = tpu.vector_load %arg7[%parallel_loop3A_102, %parallel_loop3A_103] {strides = array<i32>} : memref<32x2048xf32, #tpu.memory_space<vmem>>, vector<16xf32>,
      tpu.vector_store %arg7[%parallel_loop3A_102, %parallel_loop3A_103], %parallel_loop3A_98 {strides = array<i32>} : memref<32x2048xf32, #tpu.memory_space<vmem>>, vector<16xf32>,
      %parallel_loop3A_105 = arith.constant 7 : i32
      %parallel_loop3A_106 = vector.broadcast %parallel_loop3A_105 : i32 to vector<16xi32>
      %parallel_loop3A_107 = tpu.vector_load_idx %arg6[%parallel_loop3A_106, %parallel_loop3A_41] : memref<32x512xf32, #tpu.memory_space<vmem>>[vector<16xi32>, vector<16xi32>], vector<16xf32>,
      %parallel_loop3A_108 = arith.constant 16 : i32
      %parallel_loop3A_109 = arith.muli %parallel_loop3A_37, %parallel_loop3A_108 : i32
      %parallel_loop3A_110 = arith.constant 7 : i32
      %parallel_loop3A_111 = arith.index_cast %parallel_loop3A_110 : i32 to index
      %parallel_loop3A_112 = arith.index_cast %parallel_loop3A_109 : i32 to index
      %parallel_loop3A_113 = tpu.vector_load %arg7[%parallel_loop3A_111, %parallel_loop3A_112] {strides = array<i32>} : memref<32x2048xf32, #tpu.memory_space<vmem>>, vector<16xf32>,
      tpu.vector_store %arg7[%parallel_loop3A_111, %parallel_loop3A_112], %parallel_loop3A_107 {strides = array<i32>} : memref<32x2048xf32, #tpu.memory_space<vmem>>, vector<16xf32>,
      %parallel_loop3A_114 = arith.constant 8 : i32
      %parallel_loop3A_115 = vector.broadcast %parallel_loop3A_114 : i32 to vector<16xi32>
      %parallel_loop3A_116 = tpu.vector_load_idx %arg6[%parallel_loop3A_115, %parallel_loop3A_41] : memref<32x512xf32, #tpu.memory_space<vmem>>[vector<16xi32>, vector<16xi32>], vector<16xf32>,
      %parallel_loop3A_117 = arith.constant 16 : i32
      %parallel_loop3A_118 = arith.muli %parallel_loop3A_37, %parallel_loop3A_117 : i32
      %parallel_loop3A_119 = arith.constant 8 : i32
      %parallel_loop3A_120 = arith.index_cast %parallel_loop3A_119 : i32 to index
      %parallel_loop3A_121 = arith.index_cast %parallel_loop3A_118 : i32 to index
      %parallel_loop3A_122 = tpu.vector_load %arg7[%parallel_loop3A_120, %parallel_loop3A_121] {strides = array<i32>} : memref<32x2048xf32, #tpu.memory_space<vmem>>, vector<16xf32>,
      tpu.vector_store %arg7[%parallel_loop3A_120, %parallel_loop3A_121], %parallel_loop3A_116 {strides = array<i32>} : memref<32x2048xf32, #tpu.memory_space<vmem>>, vector<16xf32>,
      %parallel_loop3A_123 = arith.constant 9 : i32
      %parallel_loop3A_124 = vector.broadcast %parallel_loop3A_123 : i32 to vector<16xi32>
      %parallel_loop3A_125 = tpu.vector_load_idx %arg6[%parallel_loop3A_124, %parallel_loop3A_41] : memref<32x512xf32, #tpu.memory_space<vmem>>[vector<16xi32>, vector<16xi32>], vector<16xf32>,
      %parallel_loop3A_126 = arith.constant 16 : i32
      %parallel_loop3A_127 = arith.muli %parallel_loop3A_37, %parallel_loop3A_126 : i32
      %parallel_loop3A_128 = arith.constant 9 : i32
      %parallel_loop3A_129 = arith.index_cast %parallel_loop3A_128 : i32 to index
      %parallel_loop3A_130 = arith.index_cast %parallel_loop3A_127 : i32 to index
      %parallel_loop3A_131 = tpu.vector_load %arg7[%parallel_loop3A_129, %parallel_loop3A_130] {strides = array<i32>} : memref<32x2048xf32, #tpu.memory_space<vmem>>, vector<16xf32>,
      tpu.vector_store %arg7[%parallel_loop3A_129, %parallel_loop3A_130], %parallel_loop3A_125 {strides = array<i32>} : memref<32x2048xf32, #tpu.memory_space<vmem>>, vector<16xf32>,
      %parallel_loop3A_132 = arith.constant 10 : i32
      %parallel_loop3A_133 = vector.broadcast %parallel_loop3A_132 : i32 to vector<16xi32>
      %parallel_loop3A_134 = tpu.vector_load_idx %arg6[%parallel_loop3A_133, %parallel_loop3A_41] : memref<32x512xf32, #tpu.memory_space<vmem>>[vector<16xi32>, vector<16xi32>], vector<16xf32>,
      %parallel_loop3A_135 = arith.constant 16 : i32
      %parallel_loop3A_136 = arith.muli %parallel_loop3A_37, %parallel_loop3A_135 : i32
      %parallel_loop3A_137 = arith.constant 10 : i32
      %parallel_loop3A_138 = arith.index_cast %parallel_loop3A_137 : i32 to index
      %parallel_loop3A_139 = arith.index_cast %parallel_loop3A_136 : i32 to index
      %parallel_loop3A_140 = tpu.vector_load %arg7[%parallel_loop3A_138, %parallel_loop3A_139] {strides = array<i32>} : memref<32x2048xf32, #tpu.memory_space<vmem>>, vector<16xf32>,
      tpu.vector_store %arg7[%parallel_loop3A_138, %parallel_loop3A_139], %parallel_loop3A_134 {strides = array<i32>} : memref<32x2048xf32, #tpu.memory_space<vmem>>, vector<16xf32>,
      %parallel_loop3A_141 = arith.constant 11 : i32
      %parallel_loop3A_142 = vector.broadcast %parallel_loop3A_141 : i32 to vector<16xi32>
      %parallel_loop3A_143 = tpu.vector_load_idx %arg6[%parallel_loop3A_142, %parallel_loop3A_41] : memref<32x512xf32, #tpu.memory_space<vmem>>[vector<16xi32>, vector<16xi32>], vector<16xf32>,
      %parallel_loop3A_144 = arith.constant 16 : i32
      %parallel_loop3A_145 = arith.muli %parallel_loop3A_37, %parallel_loop3A_144 : i32
      %parallel_loop3A_146 = arith.constant 11 : i32
      %parallel_loop3A_147 = arith.index_cast %parallel_loop3A_146 : i32 to index
      %parallel_loop3A_148 = arith.index_cast %parallel_loop3A_145 : i32 to index
      %parallel_loop3A_149 = tpu.vector_load %arg7[%parallel_loop3A_147, %parallel_loop3A_148] {strides = array<i32>} : memref<32x2048xf32, #tpu.memory_space<vmem>>, vector<16xf32>,
      tpu.vector_store %arg7[%parallel_loop3A_147, %parallel_loop3A_148], %parallel_loop3A_143 {strides = array<i32>} : memref<32x2048xf32, #tpu.memory_space<vmem>>, vector<16xf32>,
      %parallel_loop3A_150 = arith.constant 12 : i32
      %parallel_loop3A_151 = vector.broadcast %parallel_loop3A_150 : i32 to vector<16xi32>
      %parallel_loop3A_152 = tpu.vector_load_idx %arg6[%parallel_loop3A_151, %parallel_loop3A_41] : memref<32x512xf32, #tpu.memory_space<vmem>>[vector<16xi32>, vector<16xi32>], vector<16xf32>,
      %parallel_loop3A_153 = arith.constant 16 : i32
      %parallel_loop3A_154 = arith.muli %parallel_loop3A_37, %parallel_loop3A_153 : i32
      %parallel_loop3A_155 = arith.constant 12 : i32
      %parallel_loop3A_156 = arith.index_cast %parallel_loop3A_155 : i32 to index
      %parallel_loop3A_157 = arith.index_cast %parallel_loop3A_154 : i32 to index
      %parallel_loop3A_158 = tpu.vector_load %arg7[%parallel_loop3A_156, %parallel_loop3A_157] {strides = array<i32>} : memref<32x2048xf32, #tpu.memory_space<vmem>>, vector<16xf32>,
      tpu.vector_store %arg7[%parallel_loop3A_156, %parallel_loop3A_157], %parallel_loop3A_152 {strides = array<i32>} : memref<32x2048xf32, #tpu.memory_space<vmem>>, vector<16xf32>,
      %parallel_loop3A_159 = arith.constant 13 : i32
      %parallel_loop3A_160 = vector.broadcast %parallel_loop3A_159 : i32 to vector<16xi32>
      %parallel_loop3A_161 = tpu.vector_load_idx %arg6[%parallel_loop3A_160, %parallel_loop3A_41] : memref<32x512xf32, #tpu.memory_space<vmem>>[vector<16xi32>, vector<16xi32>], vector<16xf32>,
      %parallel_loop3A_162 = arith.constant 16 : i32
      %parallel_loop3A_163 = arith.muli %parallel_loop3A_37, %parallel_loop3A_162 : i32
      %parallel_loop3A_164 = arith.constant 13 : i32
      %parallel_loop3A_165 = arith.index_cast %parallel_loop3A_164 : i32 to index
      %parallel_loop3A_166 = arith.index_cast %parallel_loop3A_163 : i32 to index
      %parallel_loop3A_167 = tpu.vector_load %arg7[%parallel_loop3A_165, %parallel_loop3A_166] {strides = array<i32>} : memref<32x2048xf32, #tpu.memory_space<vmem>>, vector<16xf32>,
      tpu.vector_store %arg7[%parallel_loop3A_165, %parallel_loop3A_166], %parallel_loop3A_161 {strides = array<i32>} : memref<32x2048xf32, #tpu.memory_space<vmem>>, vector<16xf32>,
      %parallel_loop3A_168 = arith.constant 14 : i32
      %parallel_loop3A_169 = vector.broadcast %parallel_loop3A_168 : i32 to vector<16xi32>
      %parallel_loop3A_170 = tpu.vector_load_idx %arg6[%parallel_loop3A_169, %parallel_loop3A_41] : memref<32x512xf32, #tpu.memory_space<vmem>>[vector<16xi32>, vector<16xi32>], vector<16xf32>,
      %parallel_loop3A_171 = arith.constant 16 : i32
      %parallel_loop3A_172 = arith.muli %parallel_loop3A_37, %parallel_loop3A_171 : i32
      %parallel_loop3A_173 = arith.constant 14 : i32
      %parallel_loop3A_174 = arith.index_cast %parallel_loop3A_173 : i32 to index
      %parallel_loop3A_175 = arith.index_cast %parallel_loop3A_172 : i32 to index
      %parallel_loop3A_176 = tpu.vector_load %arg7[%parallel_loop3A_174, %parallel_loop3A_175] {strides = array<i32>} : memref<32x2048xf32, #tpu.memory_space<vmem>>, vector<16xf32>,
      tpu.vector_store %arg7[%parallel_loop3A_174, %parallel_loop3A_175], %parallel_loop3A_170 {strides = array<i32>} : memref<32x2048xf32, #tpu.memory_space<vmem>>, vector<16xf32>,
      %parallel_loop3A_177 = arith.constant 15 : i32
      %parallel_loop3A_178 = vector.broadcast %parallel_loop3A_177 : i32 to vector<16xi32>
      %parallel_loop3A_179 = tpu.vector_load_idx %arg6[%parallel_loop3A_178, %parallel_loop3A_41] : memref<32x512xf32, #tpu.memory_space<vmem>>[vector<16xi32>, vector<16xi32>], vector<16xf32>,
      %parallel_loop3A_180 = arith.constant 16 : i32
      %parallel_loop3A_181 = arith.muli %parallel_loop3A_37, %parallel_loop3A_180 : i32
      %parallel_loop3A_182 = arith.constant 15 : i32
      %parallel_loop3A_183 = arith.index_cast %parallel_loop3A_182 : i32 to index
      %parallel_loop3A_184 = arith.index_cast %parallel_loop3A_181 : i32 to index
      %parallel_loop3A_185 = tpu.vector_load %arg7[%parallel_loop3A_183, %parallel_loop3A_184] {strides = array<i32>} : memref<32x2048xf32, #tpu.memory_space<vmem>>, vector<16xf32>,
      tpu.vector_store %arg7[%parallel_loop3A_183, %parallel_loop3A_184], %parallel_loop3A_179 {strides = array<i32>} : memref<32x2048xf32, #tpu.memory_space<vmem>>, vector<16xf32>,
      %parallel_loop3A_186 = arith.constant 16 : i32
      %parallel_loop3A_187 = vector.broadcast %parallel_loop3A_186 : i32 to vector<16xi32>
      %parallel_loop3A_188 = tpu.vector_load_idx %arg6[%parallel_loop3A_187, %parallel_loop3A_41] : memref<32x512xf32, #tpu.memory_space<vmem>>[vector<16xi32>, vector<16xi32>], vector<16xf32>,
      %parallel_loop3A_189 = arith.constant 16 : i32
      %parallel_loop3A_190 = arith.muli %parallel_loop3A_37, %parallel_loop3A_189 : i32
      %parallel_loop3A_191 = arith.constant 16 : i32
      %parallel_loop3A_192 = arith.index_cast %parallel_loop3A_191 : i32 to index
      %parallel_loop3A_193 = arith.index_cast %parallel_loop3A_190 : i32 to index
      %parallel_loop3A_194 = tpu.vector_load %arg7[%parallel_loop3A_192, %parallel_loop3A_193] {strides = array<i32>} : memref<32x2048xf32, #tpu.memory_space<vmem>>, vector<16xf32>,
      tpu.vector_store %arg7[%parallel_loop3A_192, %parallel_loop3A_193], %parallel_loop3A_188 {strides = array<i32>} : memref<32x2048xf32, #tpu.memory_space<vmem>>, vector<16xf32>,
      %parallel_loop3A_195 = arith.constant 17 : i32
      %parallel_loop3A_196 = vector.broadcast %parallel_loop3A_195 : i32 to vector<16xi32>
      %parallel_loop3A_197 = tpu.vector_load_idx %arg6[%parallel_loop3A_196, %parallel_loop3A_41] : memref<32x512xf32, #tpu.memory_space<vmem>>[vector<16xi32>, vector<16xi32>], vector<16xf32>,
      %parallel_loop3A_198 = arith.constant 16 : i32
      %parallel_loop3A_199 = arith.muli %parallel_loop3A_37, %parallel_loop3A_198 : i32
      %parallel_loop3A_200 = arith.constant 17 : i32
      %parallel_loop3A_201 = arith.index_cast %parallel_loop3A_200 : i32 to index
      %parallel_loop3A_202 = arith.index_cast %parallel_loop3A_199 : i32 to index
      %parallel_loop3A_203 = tpu.vector_load %arg7[%parallel_loop3A_201, %parallel_loop3A_202] {strides = array<i32>} : memref<32x2048xf32, #tpu.memory_space<vmem>>, vector<16xf32>,
      tpu.vector_store %arg7[%parallel_loop3A_201, %parallel_loop3A_202], %parallel_loop3A_197 {strides = array<i32>} : memref<32x2048xf32, #tpu.memory_space<vmem>>, vector<16xf32>,
      %parallel_loop3A_204 = arith.constant 18 : i32
      %parallel_loop3A_205 = vector.broadcast %parallel_loop3A_204 : i32 to vector<16xi32>
      %parallel_loop3A_206 = tpu.vector_load_idx %arg6[%parallel_loop3A_205, %parallel_loop3A_41] : memref<32x512xf32, #tpu.memory_space<vmem>>[vector<16xi32>, vector<16xi32>], vector<16xf32>,
      %parallel_loop3A_207 = arith.constant 16 : i32
      %parallel_loop3A_208 = arith.muli %parallel_loop3A_37, %parallel_loop3A_207 : i32
      %parallel_loop3A_209 = arith.constant 18 : i32
      %parallel_loop3A_210 = arith.index_cast %parallel_loop3A_209 : i32 to index
      %parallel_loop3A_211 = arith.index_cast %parallel_loop3A_208 : i32 to index
      %parallel_loop3A_212 = tpu.vector_load %arg7[%parallel_loop3A_210, %parallel_loop3A_211] {strides = array<i32>} : memref<32x2048xf32, #tpu.memory_space<vmem>>, vector<16xf32>,
      tpu.vector_store %arg7[%parallel_loop3A_210, %parallel_loop3A_211], %parallel_loop3A_206 {strides = array<i32>} : memref<32x2048xf32, #tpu.memory_space<vmem>>, vector<16xf32>,
      %parallel_loop3A_213 = arith.constant 19 : i32
      %parallel_loop3A_214 = vector.broadcast %parallel_loop3A_213 : i32 to vector<16xi32>
      %parallel_loop3A_215 = tpu.vector_load_idx %arg6[%parallel_loop3A_214, %parallel_loop3A_41] : memref<32x512xf32, #tpu.memory_space<vmem>>[vector<16xi32>, vector<16xi32>], vector<16xf32>,
      %parallel_loop3A_216 = arith.constant 16 : i32
      %parallel_loop3A_217 = arith.muli %parallel_loop3A_37, %parallel_loop3A_216 : i32
      %parallel_loop3A_218 = arith.constant 19 : i32
      %parallel_loop3A_219 = arith.index_cast %parallel_loop3A_218 : i32 to index
      %parallel_loop3A_220 = arith.index_cast %parallel_loop3A_217 : i32 to index
      %parallel_loop3A_221 = tpu.vector_load %arg7[%parallel_loop3A_219, %parallel_loop3A_220] {strides = array<i32>} : memref<32x2048xf32, #tpu.memory_space<vmem>>, vector<16xf32>,
      tpu.vector_store %arg7[%parallel_loop3A_219, %parallel_loop3A_220], %parallel_loop3A_215 {strides = array<i32>} : memref<32x2048xf32, #tpu.memory_space<vmem>>, vector<16xf32>,
      %parallel_loop3A_222 = arith.constant 20 : i32
      %parallel_loop3A_223 = vector.broadcast %parallel_loop3A_222 : i32 to vector<16xi32>
      %parallel_loop3A_224 = tpu.vector_load_idx %arg6[%parallel_loop3A_223, %parallel_loop3A_41] : memref<32x512xf32, #tpu.memory_space<vmem>>[vector<16xi32>, vector<16xi32>], vector<16xf32>,
      %parallel_loop3A_225 = arith.constant 16 : i32
      %parallel_loop3A_226 = arith.muli %parallel_loop3A_37, %parallel_loop3A_225 : i32
      %parallel_loop3A_227 = arith.constant 20 : i32
      %parallel_loop3A_228 = arith.index_cast %parallel_loop3A_227 : i32 to index
      %parallel_loop3A_229 = arith.index_cast %parallel_loop3A_226 : i32 to index
      %parallel_loop3A_230 = tpu.vector_load %arg7[%parallel_loop3A_228, %parallel_loop3A_229] {strides = array<i32>} : memref<32x2048xf32, #tpu.memory_space<vmem>>, vector<16xf32>,
      tpu.vector_store %arg7[%parallel_loop3A_228, %parallel_loop3A_229], %parallel_loop3A_224 {strides = array<i32>} : memref<32x2048xf32, #tpu.memory_space<vmem>>, vector<16xf32>,
      %parallel_loop3A_231 = arith.constant 21 : i32
      %parallel_loop3A_232 = vector.broadcast %parallel_loop3A_231 : i32 to vector<16xi32>
      %parallel_loop3A_233 = tpu.vector_load_idx %arg6[%parallel_loop3A_232, %parallel_loop3A_41] : memref<32x512xf32, #tpu.memory_space<vmem>>[vector<16xi32>, vector<16xi32>], vector<16xf32>,
      %parallel_loop3A_234 = arith.constant 16 : i32
      %parallel_loop3A_235 = arith.muli %parallel_loop3A_37, %parallel_loop3A_234 : i32
      %parallel_loop3A_236 = arith.constant 21 : i32
      %parallel_loop3A_237 = arith.index_cast %parallel_loop3A_236 : i32 to index
      %parallel_loop3A_238 = arith.index_cast %parallel_loop3A_235 : i32 to index
      %parallel_loop3A_239 = tpu.vector_load %arg7[%parallel_loop3A_237, %parallel_loop3A_238] {strides = array<i32>} : memref<32x2048xf32, #tpu.memory_space<vmem>>, vector<16xf32>,
      tpu.vector_store %arg7[%parallel_loop3A_237, %parallel_loop3A_238], %parallel_loop3A_233 {strides = array<i32>} : memref<32x2048xf32, #tpu.memory_space<vmem>>, vector<16xf32>,
      %parallel_loop3A_240 = arith.constant 22 : i32
      %parallel_loop3A_241 = vector.broadcast %parallel_loop3A_240 : i32 to vector<16xi32>
      %parallel_loop3A_242 = tpu.vector_load_idx %arg6[%parallel_loop3A_241, %parallel_loop3A_41] : memref<32x512xf32, #tpu.memory_space<vmem>>[vector<16xi32>, vector<16xi32>], vector<16xf32>,
      %parallel_loop3A_243 = arith.constant 16 : i32
      %parallel_loop3A_244 = arith.muli %parallel_loop3A_37, %parallel_loop3A_243 : i32
      %parallel_loop3A_245 = arith.constant 22 : i32
      %parallel_loop3A_246 = arith.index_cast %parallel_loop3A_245 : i32 to index
      %parallel_loop3A_247 = arith.index_cast %parallel_loop3A_244 : i32 to index
      %parallel_loop3A_248 = tpu.vector_load %arg7[%parallel_loop3A_246, %parallel_loop3A_247] {strides = array<i32>} : memref<32x2048xf32, #tpu.memory_space<vmem>>, vector<16xf32>,
      tpu.vector_store %arg7[%parallel_loop3A_246, %parallel_loop3A_247], %parallel_loop3A_242 {strides = array<i32>} : memref<32x2048xf32, #tpu.memory_space<vmem>>, vector<16xf32>,
      %parallel_loop3A_249 = arith.constant 23 : i32
      %parallel_loop3A_250 = vector.broadcast %parallel_loop3A_249 : i32 to vector<16xi32>
      %parallel_loop3A_251 = tpu.vector_load_idx %arg6[%parallel_loop3A_250, %parallel_loop3A_41] : memref<32x512xf32, #tpu.memory_space<vmem>>[vector<16xi32>, vector<16xi32>], vector<16xf32>,
      %parallel_loop3A_252 = arith.constant 16 : i32
      %parallel_loop3A_253 = arith.muli %parallel_loop3A_37, %parallel_loop3A_252 : i32
      %parallel_loop3A_254 = arith.constant 23 : i32
      %parallel_loop3A_255 = arith.index_cast %parallel_loop3A_254 : i32 to index
      %parallel_loop3A_256 = arith.index_cast %parallel_loop3A_253 : i32 to index
      %parallel_loop3A_257 = tpu.vector_load %arg7[%parallel_loop3A_255, %parallel_loop3A_256] {strides = array<i32>} : memref<32x2048xf32, #tpu.memory_space<vmem>>, vector<16xf32>,
      tpu.vector_store %arg7[%parallel_loop3A_255, %parallel_loop3A_256], %parallel_loop3A_251 {strides = array<i32>} : memref<32x2048xf32, #tpu.memory_space<vmem>>, vector<16xf32>,
      %parallel_loop3A_258 = arith.constant 24 : i32
      %parallel_loop3A_259 = vector.broadcast %parallel_loop3A_258 : i32 to vector<16xi32>
      %parallel_loop3A_260 = tpu.vector_load_idx %arg6[%parallel_loop3A_259, %parallel_loop3A_41] : memref<32x512xf32, #tpu.memory_space<vmem>>[vector<16xi32>, vector<16xi32>], vector<16xf32>,
      %parallel_loop3A_261 = arith.constant 16 : i32
      %parallel_loop3A_262 = arith.muli %parallel_loop3A_37, %parallel_loop3A_261 : i32
      %parallel_loop3A_263 = arith.constant 24 : i32
      %parallel_loop3A_264 = arith.index_cast %parallel_loop3A_263 : i32 to index
      %parallel_loop3A_265 = arith.index_cast %parallel_loop3A_262 : i32 to index
      %parallel_loop3A_266 = tpu.vector_load %arg7[%parallel_loop3A_264, %parallel_loop3A_265] {strides = array<i32>} : memref<32x2048xf32, #tpu.memory_space<vmem>>, vector<16xf32>,
      tpu.vector_store %arg7[%parallel_loop3A_264, %parallel_loop3A_265], %parallel_loop3A_260 {strides = array<i32>} : memref<32x2048xf32, #tpu.memory_space<vmem>>, vector<16xf32>,
      %parallel_loop3A_267 = arith.constant 25 : i32
      %parallel_loop3A_268 = vector.broadcast %parallel_loop3A_267 : i32 to vector<16xi32>
      %parallel_loop3A_269 = tpu.vector_load_idx %arg6[%parallel_loop3A_268, %parallel_loop3A_41] : memref<32x512xf32, #tpu.memory_space<vmem>>[vector<16xi32>, vector<16xi32>], vector<16xf32>,
      %parallel_loop3A_270 = arith.constant 16 : i32
      %parallel_loop3A_271 = arith.muli %parallel_loop3A_37, %parallel_loop3A_270 : i32
      %parallel_loop3A_272 = arith.constant 25 : i32
      %parallel_loop3A_273 = arith.index_cast %parallel_loop3A_272 : i32 to index
      %parallel_loop3A_274 = arith.index_cast %parallel_loop3A_271 : i32 to index
      %parallel_loop3A_275 = tpu.vector_load %arg7[%parallel_loop3A_273, %parallel_loop3A_274] {strides = array<i32>} : memref<32x2048xf32, #tpu.memory_space<vmem>>, vector<16xf32>,
      tpu.vector_store %arg7[%parallel_loop3A_273, %parallel_loop3A_274], %parallel_loop3A_269 {strides = array<i32>} : memref<32x2048xf32, #tpu.memory_space<vmem>>, vector<16xf32>,
      %parallel_loop3A_276 = arith.constant 26 : i32
      %parallel_loop3A_277 = vector.broadcast %parallel_loop3A_276 : i32 to vector<16xi32>
      %parallel_loop3A_278 = tpu.vector_load_idx %arg6[%parallel_loop3A_277, %parallel_loop3A_41] : memref<32x512xf32, #tpu.memory_space<vmem>>[vector<16xi32>, vector<16xi32>], vector<16xf32>,
      %parallel_loop3A_279 = arith.constant 16 : i32
      %parallel_loop3A_280 = arith.muli %parallel_loop3A_37, %parallel_loop3A_279 : i32
      %parallel_loop3A_281 = arith.constant 26 : i32
      %parallel_loop3A_282 = arith.index_cast %parallel_loop3A_281 : i32 to index
      %parallel_loop3A_283 = arith.index_cast %parallel_loop3A_280 : i32 to index
      %parallel_loop3A_284 = tpu.vector_load %arg7[%parallel_loop3A_282, %parallel_loop3A_283] {strides = array<i32>} : memref<32x2048xf32, #tpu.memory_space<vmem>>, vector<16xf32>,
      tpu.vector_store %arg7[%parallel_loop3A_282, %parallel_loop3A_283], %parallel_loop3A_278 {strides = array<i32>} : memref<32x2048xf32, #tpu.memory_space<vmem>>, vector<16xf32>,
      %parallel_loop3A_285 = arith.constant 27 : i32
      %parallel_loop3A_286 = vector.broadcast %parallel_loop3A_285 : i32 to vector<16xi32>
      %parallel_loop3A_287 = tpu.vector_load_idx %arg6[%parallel_loop3A_286, %parallel_loop3A_41] : memref<32x512xf32, #tpu.memory_space<vmem>>[vector<16xi32>, vector<16xi32>], vector<16xf32>,
      %parallel_loop3A_288 = arith.constant 16 : i32
      %parallel_loop3A_289 = arith.muli %parallel_loop3A_37, %parallel_loop3A_288 : i32
      %parallel_loop3A_290 = arith.constant 27 : i32
      %parallel_loop3A_291 = arith.index_cast %parallel_loop3A_290 : i32 to index
      %parallel_loop3A_292 = arith.index_cast %parallel_loop3A_289 : i32 to index
      %parallel_loop3A_293 = tpu.vector_load %arg7[%parallel_loop3A_291, %parallel_loop3A_292] {strides = array<i32>} : memref<32x2048xf32, #tpu.memory_space<vmem>>, vector<16xf32>,
      tpu.vector_store %arg7[%parallel_loop3A_291, %parallel_loop3A_292], %parallel_loop3A_287 {strides = array<i32>} : memref<32x2048xf32, #tpu.memory_space<vmem>>, vector<16xf32>,
      %parallel_loop3A_294 = arith.constant 28 : i32
      %parallel_loop3A_295 = vector.broadcast %parallel_loop3A_294 : i32 to vector<16xi32>
      %parallel_loop3A_296 = tpu.vector_load_idx %arg6[%parallel_loop3A_295, %parallel_loop3A_41] : memref<32x512xf32, #tpu.memory_space<vmem>>[vector<16xi32>, vector<16xi32>], vector<16xf32>,
      %parallel_loop3A_297 = arith.constant 16 : i32
      %parallel_loop3A_298 = arith.muli %parallel_loop3A_37, %parallel_loop3A_297 : i32
      %parallel_loop3A_299 = arith.constant 28 : i32
      %parallel_loop3A_300 = arith.index_cast %parallel_loop3A_299 : i32 to index
      %parallel_loop3A_301 = arith.index_cast %parallel_loop3A_298 : i32 to index
      %parallel_loop3A_302 = tpu.vector_load %arg7[%parallel_loop3A_300, %parallel_loop3A_301] {strides = array<i32>} : memref<32x2048xf32, #tpu.memory_space<vmem>>, vector<16xf32>,
      tpu.vector_store %arg7[%parallel_loop3A_300, %parallel_loop3A_301], %parallel_loop3A_296 {strides = array<i32>} : memref<32x2048xf32, #tpu.memory_space<vmem>>, vector<16xf32>,
      %parallel_loop3A_303 = arith.constant 29 : i32
      %parallel_loop3A_304 = vector.broadcast %parallel_loop3A_303 : i32 to vector<16xi32>
      %parallel_loop3A_305 = tpu.vector_load_idx %arg6[%parallel_loop3A_304, %parallel_loop3A_41] : memref<32x512xf32, #tpu.memory_space<vmem>>[vector<16xi32>, vector<16xi32>], vector<16xf32>,
      %parallel_loop3A_306 = arith.constant 16 : i32
      %parallel_loop3A_307 = arith.muli %parallel_loop3A_37, %parallel_loop3A_306 : i32
      %parallel_loop3A_308 = arith.constant 29 : i32
      %parallel_loop3A_309 = arith.index_cast %parallel_loop3A_308 : i32 to index
      %parallel_loop3A_310 = arith.index_cast %parallel_loop3A_307 : i32 to index
      %parallel_loop3A_311 = tpu.vector_load %arg7[%parallel_loop3A_309, %parallel_loop3A_310] {strides = array<i32>} : memref<32x2048xf32, #tpu.memory_space<vmem>>, vector<16xf32>,
      tpu.vector_store %arg7[%parallel_loop3A_309, %parallel_loop3A_310], %parallel_loop3A_305 {strides = array<i32>} : memref<32x2048xf32, #tpu.memory_space<vmem>>, vector<16xf32>,
      %parallel_loop3A_312 = arith.constant 30 : i32
      %parallel_loop3A_313 = vector.broadcast %parallel_loop3A_312 : i32 to vector<16xi32>
      %parallel_loop3A_314 = tpu.vector_load_idx %arg6[%parallel_loop3A_313, %parallel_loop3A_41] : memref<32x512xf32, #tpu.memory_space<vmem>>[vector<16xi32>, vector<16xi32>], vector<16xf32>,
      %parallel_loop3A_315 = arith.constant 16 : i32
      %parallel_loop3A_316 = arith.muli %parallel_loop3A_37, %parallel_loop3A_315 : i32
      %parallel_loop3A_317 = arith.constant 30 : i32
      %parallel_loop3A_318 = arith.index_cast %parallel_loop3A_317 : i32 to index
      %parallel_loop3A_319 = arith.index_cast %parallel_loop3A_316 : i32 to index
      %parallel_loop3A_320 = tpu.vector_load %arg7[%parallel_loop3A_318, %parallel_loop3A_319] {strides = array<i32>} : memref<32x2048xf32, #tpu.memory_space<vmem>>, vector<16xf32>,
      tpu.vector_store %arg7[%parallel_loop3A_318, %parallel_loop3A_319], %parallel_loop3A_314 {strides = array<i32>} : memref<32x2048xf32, #tpu.memory_space<vmem>>, vector<16xf32>,
      %parallel_loop3A_321 = arith.constant 31 : i32
      %parallel_loop3A_322 = vector.broadcast %parallel_loop3A_321 : i32 to vector<16xi32>
      %parallel_loop3A_323 = tpu.vector_load_idx %arg6[%parallel_loop3A_322, %parallel_loop3A_41] : memref<32x512xf32, #tpu.memory_space<vmem>>[vector<16xi32>, vector<16xi32>], vector<16xf32>,
      %parallel_loop3A_324 = arith.constant 16 : i32
      %parallel_loop3A_325 = arith.muli %parallel_loop3A_37, %parallel_loop3A_324 : i32
      %parallel_loop3A_326 = arith.constant 31 : i32
      %parallel_loop3A_327 = arith.index_cast %parallel_loop3A_326 : i32 to index
      %parallel_loop3A_328 = arith.index_cast %parallel_loop3A_325 : i32 to index
      %parallel_loop3A_329 = tpu.vector_load %arg7[%parallel_loop3A_327, %parallel_loop3A_328] {strides = array<i32>} : memref<32x2048xf32, #tpu.memory_space<vmem>>, vector<16xf32>,
      tpu.vector_store %arg7[%parallel_loop3A_327, %parallel_loop3A_328], %parallel_loop3A_323 {strides = array<i32>} : memref<32x2048xf32, #tpu.memory_space<vmem>>, vector<16xf32>,
    } {sc.loop_unroll_factor = 1 : i64, sc.parallel_access}
    "tpu.region"() ({
      %run_scoped3A = tpu.sem_alloc : memref<!tpu.dma_semaphore, #tpu.memory_space<semaphore_mem>>
      %dma_start3A = arith.constant 0 : i32
      %dma_start3A_37 = tpu.memref_slice %arg4[%select_n3A, %dma_start3A, %mul3A_32] : memref<16x32x4096xf32, #tpu.memory_space<hbm>> -> memref<1x32x2048xf32, #tpu.memory_space<hbm>>
      %dma_start3A_38 = tpu.memref_squeeze %dma_start3A_37 : memref<1x32x2048xf32, #tpu.memory_space<hbm>> -> memref<32x2048xf32, #tpu.memory_space<hbm>>
      %dma_start3A_39 = arith.constant 0 : i32
      %dma_start3A_40 = tpu.memref_slice %arg4[%select_n3A, %dma_start3A_39, %mul3A_32] : memref<16x32x4096xf32, #tpu.memory_space<hbm>> -> memref<1x32x2048xf32, #tpu.memory_space<hbm>>
      %dma_start3A_41 = tpu.memref_squeeze %dma_start3A_40 : memref<1x32x2048xf32, #tpu.memory_space<hbm>> -> memref<32x2048xf32, #tpu.memory_space<hbm>>
      tpu.enqueue_dma source(%arg7 : memref<32x2048xf32, #tpu.memory_space<vmem>>) target(%dma_start3A_41 : memref<32x2048xf32, #tpu.memory_space<hbm>>) target_semaphore(%run_scoped3A : memref<!tpu.dma_semaphore, #tpu.memory_space<semaphore_mem>>)
      %dma_wait3A = arith.constant 0 : i32
      %dma_wait3A_42 = tpu.memref_slice %arg4[%select_n3A, %dma_wait3A, %mul3A_32] : memref<16x32x4096xf32, #tpu.memory_space<hbm>> -> memref<1x32x2048xf32, #tpu.memory_space<hbm>>
      %dma_wait3A_43 = tpu.memref_squeeze %dma_wait3A_42 : memref<1x32x2048xf32, #tpu.memory_space<hbm>> -> memref<32x2048xf32, #tpu.memory_space<hbm>>
      %dma_wait3A_44 = arith.constant 0 : i32
      %dma_wait3A_45 = tpu.memref_slice %arg4[%select_n3A, %dma_wait3A_44, %mul3A_32] : memref<16x32x4096xf32, #tpu.memory_space<hbm>> -> memref<1x32x2048xf32, #tpu.memory_space<hbm>>
      %dma_wait3A_46 = tpu.memref_squeeze %dma_wait3A_45 : memref<1x32x2048xf32, #tpu.memory_space<hbm>> -> memref<32x2048xf32, #tpu.memory_space<hbm>>
      tpu.wait_dma2 semaphore(%run_scoped3A : memref<!tpu.dma_semaphore, #tpu.memory_space<semaphore_mem>>) src(%arg7 : memref<32x2048xf32, #tpu.memory_space<vmem>>) dst(%dma_wait3A_46 : memref<32x2048xf32, #tpu.memory_space<hbm>>)
      tpu.yield
    }) : () -> ()
    return
  }
}

module attributes {stable_mosaic.version = 14 : i64} {
  func.func @_argmin_body(%arg0: i32, %arg1: i32, %arg2: memref<1x32x64x64xf32, #tpu.memory_space<vmem>>, %arg3: memref<512x32xf32, #tpu.memory_space<vmem>>, %arg4: memref<1x1x1x4096xi32, #tpu.memory_space<vmem>>, %arg5: memref<32x512xf32, #tpu.memory_space<vmem>>) attributes {dimension_semantics = [#tpu.dimension_semantics<arbitrary>, #tpu.dimension_semantics<arbitrary>], iteration_bounds = array<i64: 16, 1>, scalar_prefetch = 0 : i64, scratch_operands = 0 : i64, tpu.core_type = #tpu.core_type<tc>, window_params = [{transform_indices = @transform_0, window_bounds = array<i64: 1, 32, 64, 64>}, {pipeline_mode = #tpu.pipeline_mode<synchronous>, transform_indices = @transform_1, window_bounds = array<i64: 512, 32>}, {transform_indices = @transform_2, window_bounds = array<i64: 1, 1, 1, 4096>}, {pipeline_mode = #tpu.pipeline_mode<synchronous>, transform_indices = @transform_3, window_bounds = array<i64: 32, 512>}]} {
    %get3A = arith.constant 0 : index
    %get3A_0 = arith.constant 0 : index
    %get3A_1 = arith.constant 0 : index
    %get3A_2 = arith.constant 0 : index
    %get3A_3 = vector.load %arg2[%get3A, %get3A_0, %get3A_1, %get3A_2] : memref<1x32x64x64xf32, #tpu.memory_space<vmem>>, vector<1x32x64x64xf32>
    %get3A_4 = vector.shape_cast %get3A_3 : vector<1x32x64x64xf32> to vector<32x64x64xf32>
    %reshape3A = vector.shape_cast %get3A_4 : vector<32x64x64xf32> to vector<32x4096xf32>
    %get3A_5 = arith.constant 0 : index
    %get3A_6 = arith.constant 0 : index
    %get3A_7 = vector.load %arg3[%get3A_5, %get3A_6] : memref<512x32xf32, #tpu.memory_space<vmem>>, vector<512x32xf32>
    %eq3A = arith.constant 0 : i32
    %eq3A_8 = arith.cmpi eq, %arg0, %eq3A : i32
    %eq3A_9 = arith.constant 0 : i32
    %eq3A_10 = arith.cmpi eq, %arg1, %eq3A_9 : i32
    %and3A = arith.andi %eq3A_8, %eq3A_10 : i1
    %convert_element_type3A = arith.extui %and3A : i1 to i32
    %cond3A = arith.constant 0 : i32
    %cond3A_11 = arith.cmpi ne, %convert_element_type3A, %cond3A : i32
    scf.if %cond3A_11 {
      %transpose3A = tpu.transpose %get3A_7, [1, 0] : vector<512x32xf32> -> vector<32x512xf32>
      %swap3A_32 = arith.constant 0 : index
      %swap3A_33 = arith.constant 0 : index
      %swap3A_34 = vector.load %arg5[%swap3A_32, %swap3A_33] : memref<32x512xf32, #tpu.memory_space<vmem>>, vector<32x512xf32>
      tpu.vector_store %arg5[%swap3A_32, %swap3A_33], %transpose3A {strides = array<i32>} : memref<32x512xf32, #tpu.memory_space<vmem>>, vector<32x512xf32>,
    } else {
    }
    %dot_general3A = arith.constant dense<0.000000e+00> : vector<512x4096xf32>
    %dot_general3A_12 = tpu.matmul %get3A_7, %reshape3A, %dot_general3A {dimension_numbers = #tpu.dot_dimension_numbers<[1], [0], [0], [1], [0, 0, 1, 1], [], []>, transpose_lhs_hint = false} : vector<512x32xf32>, vector<32x4096xf32>, vector<512x4096xf32> -> vector<512x4096xf32>
    %mul3A = arith.mulf %reshape3A, %reshape3A : vector<32x4096xf32>
    %reduce_sum3A = arith.constant dense<0.000000e+00> : vector<4096xf32>
    %reduce_sum3A_13 = vector.multi_reduction <add>, %mul3A, %reduce_sum3A [0] : vector<32x4096xf32> to vector<4096xf32>
    %broadcast_in_dim3A = vector.shape_cast %reduce_sum3A_13 : vector<4096xf32> to vector<1x4096xf32>
    %mul3A_14 = arith.mulf %get3A_7, %get3A_7 : vector<512x32xf32>
    %reduce_sum3A_15 = arith.constant dense<0.000000e+00> : vector<512xf32>
    %reduce_sum3A_16 = vector.multi_reduction <add>, %mul3A_14, %reduce_sum3A_15 [1] : vector<512x32xf32> to vector<512xf32>
    %broadcast_in_dim3A_17 = vector.shape_cast %reduce_sum3A_16 : vector<512xf32> to vector<512x1xf32>
    %mul3A_18 = arith.constant 5.000000e-01 : f32
    %mul3A_19 = vector.broadcast %mul3A_18 : f32 to vector<1x4096xf32>
    %mul3A_20 = arith.mulf %mul3A_19, %broadcast_in_dim3A : vector<1x4096xf32>
    %mul3A_21 = arith.constant 5.000000e-01 : f32
    %mul3A_22 = vector.broadcast %mul3A_21 : f32 to vector<512x1xf32>
    %mul3A_23 = arith.mulf %mul3A_22, %broadcast_in_dim3A_17 : vector<512x1xf32>
    %add3A = vector.broadcast %mul3A_20 : vector<1x4096xf32> to vector<512x4096xf32>
    %add3A_24 = vector.broadcast %mul3A_23 : vector<512x1xf32> to vector<512x4096xf32>
    %add3A_25 = arith.addf %add3A, %add3A_24 : vector<512x4096xf32>
    %sub3A = arith.subf %add3A_25, %dot_general3A_12 : vector<512x4096xf32>
    %argmin3A = tpu.reduce_index %sub3A {axis = 0 : i32, kind = #tpu.reduction_kind<arg_min>} : vector<512x4096xf32> -> vector<4096xi32>
    %swap3A = arith.constant 0 : index
    %swap3A_26 = arith.constant 0 : index
    %swap3A_27 = arith.constant 0 : index
    %swap3A_28 = arith.constant 0 : index
    %swap3A_29 = vector.load %arg4[%swap3A, %swap3A_26, %swap3A_27, %swap3A_28] : memref<1x1x1x4096xi32, #tpu.memory_space<vmem>>, vector<1x1x1x4096xi32>
    %swap3A_30 = vector.shape_cast %swap3A_29 : vector<1x1x1x4096xi32> to vector<4096xi32>
    %swap3A_31 = vector.shape_cast %argmin3A : vector<4096xi32> to vector<1x1x1x4096xi32>
    tpu.vector_store %arg4[%swap3A, %swap3A_26, %swap3A_27, %swap3A_28], %swap3A_31 {strides = array<i32>} : memref<1x1x1x4096xi32, #tpu.memory_space<vmem>>, vector<1x1x1x4096xi32>,
    return
  }
  func.func @transform_0(%arg0: i32, %arg1: i32) -> (i32, i32, i32, i32) {
    %c0_i32 = arith.constant 0 : i32
    %c0_i32_0 = arith.constant 0 : i32
    %c0_i32_1 = arith.constant 0 : i32
    return %arg0, %c0_i32, %arg1, %c0_i32_0 : i32, i32, i32, i32
  }
  func.func @transform_1(%arg0: i32, %arg1: i32) -> (i32, i32) {
    %c0_i32 = arith.constant 0 : i32
    %c0_i32_0 = arith.constant 0 : i32
    %c0_i32_1 = arith.constant 0 : i32
    return %c0_i32, %c0_i32_0 : i32, i32
  }
  func.func @transform_2(%arg0: i32, %arg1: i32) -> (i32, i32, i32, i32) {
    %c0_i32 = arith.constant 0 : i32
    %c0_i32_0 = arith.constant 0 : i32
    %c0_i32_1 = arith.constant 0 : i32
    return %arg0, %arg1, %c0_i32, %c0_i32_0 : i32, i32, i32, i32
  }
  func.func @transform_3(%arg0: i32, %arg1: i32) -> (i32, i32) {
    %c0_i32 = arith.constant 0 : i32
    %c0_i32_0 = arith.constant 0 : i32
    %c0_i32_1 = arith.constant 0 : i32
    return %c0_i32, %c0_i32_0 : i32, i32
  }
}

</mosaic_0001>

<sc_bundles>
// kernel: kernel.4.cloned.1.call-start
scs
__scs_entry_jumppad:
0x0: {  	(pc) =	sbr.rel $0x88, $3  }
0x1: {  	(tag) =	ssettag $0x0;
	lr =	simm.s32 $0x1  }
0x2: {  	[smem:$0x3F9F] =	sst lr;
	_ =	strace $0xD0000000  }
0x3: {  	_ = 	snop  }
0x4: {  	_ = 	snop  }
0x5: {  	_ = 	snop  }
0x6: {  	_ = 	snop  }
0x7: {  	_ = 	snop  }
__scs_overlays_trampoline_lowered:
0x8: {  	[smem:$0x3FAE] =	sst s0  }
0x9: {  	[smem:$0x3FAF] =	sst s1  }
0xa: {  	[smem:$0x3FB0] =	sst s2  }
0xb: {  	[smem:$0x3FB1] =	sst s3  }
0xc: {  	[smem:$0x3FB2] =	sst s4  }
0xd: {  	[smem:$0x3FB3] =	sst s5  }
0xe: {  	[smem:$0x3FB4] =	sst s6  }
0xf: {  	[smem:$0x3FB5] =	sst s7  }
0x10: {  	[smem:$0x3FB6] =	sst s8  }
0x11: {  	[smem:$0x3FB7] =	sst s9;
	s0 =	simm.s32 @!p0 $0x0  }
0x12: {  	s1 =	sld [smem:$0x3F9D];
	s0 =	simm.s32 @p0 $0x1  }
0x13: {  	[smem:$0x3FB8] =	sst s0;
	s0 =	simm.s32 @!p1 $0x0  }
0x14: {  	s2 =	sld [smem:$0x3F9C];
	s0 =	simm.s32 @p1 $0x1  }
0x15: {  	[smem:$0x3FB9] =	sst s0;
	s0 =	simm.s32 @!p2 $0x0  }
0x16: {  	s3 =	sld [smem:$0x3FDB];
	s0 =	simm.s32 @p2 $0x1  }
0x17: {  	s4 =	simm.s32 $0x1BF5;
	[smem:$0x3FBB] =	sst s0  }
0x18: {  	s0 =	sld [smem:$0x3F9E];
	_ =	swait.ge [sflag:s4], $0x0  }
0x19: {  	s7 =	sld [smem:$0x3F9F]  }
0x1a: {  	s8 =	sadd.s32 $0xFFFFE003, lr  }
0x1b: {  	s9 =	sadd.s32 $0xFFFFFEF7, lr;
	s5 =	simm.s32 $0xFFFFFFFF;
	p2 =	slt.u32 s8, $0xFFFFF086  }
0x1c: {  	p1 =	slt.u32 s9, $0xF7A;
	s5 =	simm.s32 @!p2 $0x0  }
0x1d: {  	s5 =	simm.s32 @p1 $0x1;
	p0 =	seq.s32 s7, s2  }
0x1e: {  	s7 =	smul.u32 @!p0 $0xF7A, s2;
	p2 =	seq.s32 @!p0 s5, $0x0  }
0x1f: {  	s9 =	smul.u32 $0xF7A, s1;
	s8 =	simm.s32 @!p0 $0x1BF5;
	p2 =	por !p2, p0  }
0x20: {  	[sflag:s8] =	ssyncset.s32 @!p0 $0xFFFFF086;
	s6 =	sadd.s32 @!p0 s3, s7;
	s7 =	simm.s32 @!p0 $0x108  }
0x21: {  	s3 =	sadd.s32 s3, s9;
	s6 =	sadd.s32 @!p0 $0x88, s6;
	s7 =	simm.s32 @p2 $0x1082  }
0x22: {  	[simem:s7], [sflag:s8] =	dma.local @!p0 [hbm:s6], $0xF7A  }
0x23: {  	s9 =	sor.u32 $0xD0000000, s2;
	s6 =	simm.s32 $0x108;
	_ =	swait.ge @!p0 [sflag:s8], $0x0  }
0x24: {  	s3 =	sadd.s32 $0x88, s3;
	s6 =	simm.s32 @!p1 $0x1082;
	[sflag:s4] =	ssyncset.s32 $0xFFFFF086  }
0x25: {  	[simem:s6], [sflag:s4] =	dma.local [hbm:s3], $0xF7A  }
0x26: {  	[smem:$0x3F9F] =	sst s1;
	(tag) =	ssettag s2;
	_ =	strace s9  }
0x27: {  	s1 =	sld [smem:$0x3FAF]  }
0x28: {  	s2 =	sld [smem:$0x3FB0]  }
0x29: {  	s4 =	sld [smem:$0x3FB2]  }
0x2a: {  	p0 =	seq.s32 s5, $0x0;
	s5 =	sld [smem:$0x3FB3]  }
0x2b: {  	s6 =	sld [smem:$0x3FB4]  }
0x2c: {  	s7 =	sld [smem:$0x3FB5]  }
0x2d: {  	s3 =	simm.s32 $0x108;
	s8 =	sld [smem:$0x3FB6]  }
0x2e: {  	s3 =	simm.s32 @!p0 $0x1082;
	s9 =	sld [smem:$0x3FB7]  }
0x2f: {  	lr =	sadd.s32 s0, s3;
	s0 =	sld [smem:$0x3FAE]  }
0x30: {  	s3 =	sld [smem:$0x3FB1]  }
0x31: {  	[smem:$0x3FBA] =	sst s10  }
0x32: {  	s10 =	sld [smem:$0x3FB8];
	_ =	sdelay $0x3  }
0x33: {  	p0 =	seq.s32 s10, $0x1;
	s10 =	sld [smem:$0x3FBA];
	_ =	sdelay $0x3  }
0x34: {  	[smem:$0x3FBA] =	sst s10  }
0x35: {  	s10 =	sld [smem:$0x3FB9];
	_ =	sdelay $0x3  }
0x36: {  	p1 =	seq.s32 s10, $0x1;
	s10 =	sld [smem:$0x3FBA];
	_ =	sdelay $0x3  }
0x37: {  	[smem:$0x3FBA] =	sst s10  }
0x38: {  	s10 =	sld [smem:$0x3FBB]  }
0x39: {  	_ = 	snop;
	(pc) =	sbr.ind lr, $3  }
0x3a: {  	_ = 	snop  }
0x3b: {  	_ = 	snop  }
0x3c: {  	p2 =	seq.s32 s10, $0x1;
	s10 =	sld [smem:$0x3FBA]  }
0x3d: {  	_ =	shalt  }
0x3e: {  	_ =	shalt  }
0x3f: {  	_ =	shalt  }
0x40: {  	_ =	shalt  }
0x41: {  	_ =	shalt  }
0x42: {  	_ =	shalt  }
0x43: {  	_ =	shalt  }
0x44: {  	_ =	shalt  }
0x45: {  	_ =	shalt  }
0x46: {  	_ =	shalt  }
0x47: {  	_ =	shalt  }
0x48: {  	_ =	shalt  }
0x49: {  	_ =	shalt  }
0x4a: {  	_ =	shalt  }
0x4b: {  	_ =	shalt  }
0x4c: {  	_ =	shalt  }
0x4d: {  	_ =	shalt  }
0x4e: {  	_ =	shalt  }
0x4f: {  	_ =	shalt  }
0x50: {  	_ =	shalt  }
0x51: {  	_ =	shalt  }
0x52: {  	_ =	shalt  }
0x53: {  	_ =	shalt  }
0x54: {  	_ =	shalt  }
0x55: {  	_ =	shalt  }
0x56: {  	_ =	shalt  }
0x57: {  	_ =	shalt  }
0x58: {  	_ =	shalt  }
0x59: {  	_ =	shalt  }
0x5a: {  	_ =	shalt  }
0x5b: {  	_ =	shalt  }
0x5c: {  	_ =	shalt  }
0x5d: {  	_ =	shalt  }
0x5e: {  	_ =	shalt  }
0x5f: {  	_ =	shalt  }
0x60: {  	_ =	shalt  }
0x61: {  	_ =	shalt  }
0x62: {  	_ =	shalt  }
0x63: {  	_ =	shalt  }
0x64: {  	_ =	shalt  }
0x65: {  	_ =	shalt  }
0x66: {  	_ =	shalt  }
0x67: {  	_ =	shalt  }
0x68: {  	_ =	shalt  }
0x69: {  	_ =	shalt  }
0x6a: {  	_ =	shalt  }
0x6b: {  	_ =	shalt  }
0x6c: {  	_ =	shalt  }
0x6d: {  	_ =	shalt  }
0x6e: {  	_ =	shalt  }
0x6f: {  	_ =	shalt  }
0x70: {  	_ =	shalt  }
0x71: {  	_ =	shalt  }
0x72: {  	_ =	shalt  }
0x73: {  	_ =	shalt  }
0x74: {  	_ =	shalt  }
0x75: {  	_ =	shalt  }
0x76: {  	_ =	shalt  }
0x77: {  	_ =	shalt  }
0x78: {  	_ =	shalt  }
0x79: {  	_ =	shalt  }
0x7a: {  	_ =	shalt  }
0x7b: {  	_ =	shalt  }
0x7c: {  	_ =	shalt  }
0x7d: {  	_ =	shalt  }
0x7e: {  	_ =	shalt  }
0x7f: {  	_ =	shalt  }
0x80: {  	_ =	shalt  }
0x81: {  	_ =	shalt  }
0x82: {  	_ =	shalt  }
0x83: {  	_ =	shalt  }
0x84: {  	_ =	shalt  }
0x85: {  	_ =	shalt  }
0x86: {  	_ =	shalt  }
0x87: {  	_ =	shalt  }
.Lfunc_end0:
.L_simem_size_0:
called_computation_lowered:
.L_overlay_start_0:
0x88: {  	s2 =	sld [smem:$0x3FD9]  }
0x89: {  	s3 =	sld [smem:$0x3FFE];
	_ =	sdelay $0x1  }
0x8a: {  	s1 =	srdreg.scid  }
0x8b: {  	s0 =	sand.u32 $0x1, s1  }
0x8c: {  	s17 =	sshll.u32 s0, $0xA;
	s2 =	sadd.s32 s3, s2  }
0x8d: {  	s2 =	sadd.s32 s2, s17  }
0x8e: {  	[smem:$0x3FC6] =	sst s2  }
0x8f: {  	_ = 	snop  }
0x90: {  	s2 =	sld [smem:$0x3FD0];
	(tm) =	ssettm $0x1  }
0x91: {  	s18 =	sld [smem:$0x3FFB];
	_ =	sdelay $0x3  }
0x92: {  	_ =	strace s18  }
0x93: {  	s3 =	sld [smem:$0x3FFC];
	_ =	sdelay $0x3  }
0x94: {  	_ =	strace s3  }
0x95: {  	s3 =	sld [smem:$0x3FFD];
	_ =	sdelay $0x3  }
0x96: {  	_ =	strace s3  }
0x97: {  	_ =	strace $0x8FFFFFFF  }
0x98: {  	s19 =	sld [smem:$0x3FDB];
	_ =	sdelay $0x1  }
0x99: {  	s4 =	simm.s32 $_scs_section_size  }
0x9a: {  	s5 =	simm.s32 $_size__tile_overlayer_lowered;
	s6 =	simm.s32 $_tile_overlayer_lowered  }
0x9b: {  	s22 =	simm.s32 $0x1BFF;
	s21 =	sshll.u32 s6, $0x1;
	s3 =	sadd.s32 s4, s19  }
0x9c: {  	s7 =	simm.s32 $0x0;
	s20 =	sshll.u32 s5, $0x1;
	s5 =	sadd.s32 s21, s3  }
0x9d: {  	[timem:s7], [sflag:s22] =	dma.local [hbm:s5], s20  }
0x9e: {  	_ =	swait.ge [sflag:s22], s20  }
0x9f: {  	s4 =	ssub.s32 $0x0, s20;
	[sflag:s22] =	ssyncset.done $0x0  }
0xa0: {  	[sflag:s22] =	ssyncadd.s32 s4;
	_ =	sdelay $0x1  }
0xa1: {  	s23 =	simm.s32 $0x1B8B  }
0xa2: {  	_ =	swait.ge [sflag:s23], $0x1  }
0xa3: {  	[sflag:s23] =	ssyncset.done $0x0  }
0xa4: {  	s25 =	simm.s32 $0x1B8E;
	s24 =	sld [smem:$0x3FFE];
	[sflag:s23] =	ssyncadd.s32 $0xFFFFFFFF  }
0xa5: {  	s26 =	simm.s32 $execute0_lowered;
	[smem:$0x3FD2] =	sst s25  }
0xa6: {  	s5 =	sshll.u32 s26, $0x1;
	_ =	strace $0x80000046;
	[dreg:$0x1] =	wrdreg $0xFFFFFFFF  }
0xa7: {  	s28 =	simm.s32 $_size_execute0_lowered;
	s3 =	sadd.s32 s3, s5;
	[dreg:$0x0] =	wrdreg $0x0  }
0xa8: {  	s5 =	sshll.u32 s28, $0x1;
	[dreg:$0x2] =	wrdreg s3  }
0xa9: {  	[dreg:$0x3] =	wrdreg s5  }
0xaa: {  	[dreg:$0x4] =	wrdreg $0xC0  }
0xab: {  	_ =	task [dreg:s7], $0x5FFFF  }
0xac: {  	[dreg:$0x1] =	wrdreg $0xFFFFFFFF  }
0xad: {  	[dreg:$0x0] =	wrdreg $0x60  }
0xae: {  	[dreg:$0x2] =	wrdreg s24  }
0xaf: {  	[dreg:$0x3] =	wrdreg s2  }
0xb0: {  	[dreg:$0x4] =	wrdreg $0x9  }
0xb1: {  	_ =	task.clear_ibuf [dreg:s7], $0x5FFFF;
	_ =	strace $0x90000046  }
0xb2: {  	s29 =	simm.s32 $0x9;
	_ =	strace $0x80000048  }
0xb3: {  	_ =	swait.ge [sflag:s29], $0x1  }
0xb4: {  	[sflag:s29] =	ssyncadd.s32 $0xFFFFFFFF  }
0xb5: {  	_ =	strace $0x90000048  }
0xb6: {  	_ =	sfence  }
0xb7: {  	s30 =	sld [smem:$0x0];
	_ =	sdelay $0x2  }
0xb8: {  	s31 =	sshll.u32 s1, $0xD;
	s1 =	sshrl.u32 s1, $0x2  }
0xb9: {  	s3 =	sand.u32 $0x4000, s31;
	s1 =	sadd.s32 s1, s30  }
0xba: {  	s0 =	sor.u32 s3, s0;
	s1 =	sshll.u32 s1, $0x11  }
0xbb: {  	s0 =	sor.u32 s1, s0  }
0xbc: {  	s0 =	sadd.s32 $0x8F2B, s0  }
0xbd: {  	[sflag:s0] =	ssyncadd.remote.s32 $0x1  }
0xbe: {  	_ =	sfence.sel $0xFFFF  }
0xbf: {  	[dreg:$0x0] =	wrdreg $0xFFFFFFFF;
	(pc) =	sbr.abs _section_cstart, $3  }
0xc0: {  	[dreg:$0x1] =	wrdreg $0xFFFFFFFF  }
0xc1: {  	_ =	task.clear_ibuf [dreg:s7], $0x2FFFF;
	_ =	strace $0x9FFFFFFF  }
0xc2: {  	(tm) =	ssettm $0x7FFFFFFF  }
0xc3: {  	_ =	shalt  }
tec
execute0_lowered:
.L_overlay_start_1:
0x0: {  	(tag) =	ssettag $0x1  }
0x1: {  	s1 =	srdreg.scid;
	s0 =	stileid.u32  }
0x2: {  	s5 =	sand.u32 $0x1, s1;
	s29 =	sshll.u32 s0, $0x1  }
0x3: {  	s6 =	rddreg [dreg:$0x0];
	s7 =	sor.u32 s5, s29  }
0x4: {  	s8 =	rddreg [dreg:$0x1];
	p1 =	seq.s32 s5, $0x1;
	p0 =	seq.s32 s7, $0x0  }
0x5: {  	s2 =	simm.s32 $0x0;
	s3 =	simm.s32 $0x1;
	p0 =	por !p0, !p1  }
0x6: {  	s11 =	simm.s32 $0x0;
	[smem:$0x7FF] =	sst s2;
	p0 =	por !p0, !p0  }
0x7: {  	s1 =	rddreg [dreg:$0x2];
	_ =	strace $0x80000047;
	s3 =	simm.s32 @!p0 $0x0  }
0x8: {  	s10 =	sshll.u32 s5, $0xB;
	s5 =	ssub.s32 $0x2, s5;
	s4 =	ssub.s32 s0, s3  }
0x9: {  	s30 =	sshrl.u32 s5, $0x1;
	s7 =	sshll.u32 s7, $0x8;
	s9 =	sshll.u32 s4, $0x11  }
0xa: {  	s31 =	ssub.s32 s5, s30;
	s5 =	sadd.s32 s8, s7;
	s9 =	sor.u32 s10, s9  }
0xb: {  	s8 =	simm.s32 $0x800;
	s7 =	smax.u32 s31, $0x1;
	s9 =	sshrl.u32 s9, $0x3  }
0xc: {  	s3 =	sadd.s32 $0xA00, s6;
	s4 =	simm.s32 $0x1;
	s6 =	sadd.s32 s9, s6  }
0xd: {  	s10 =	simm.s32 $0x4800;
	s9 =	simm.s32 $0x1000;
	s6 =	sadd.s32 $0x1200, s6  }
.LBB2_1:
0xe: {  	[tilespmem:s2], [sflag:$0x1] =	stream.linear.gather [hbm4b:s5+s2], $0x800, $0x38;
	[tilespmem:$0x14800] =	vst v63  }
0xf: {  	_ =	swait.ge [sflag:s4], $0x800  }
0x10: {  	[sflag:s4] =	ssyncset.done $0x0  }
0x11: {  	[sflag:s4] =	ssyncadd.s32 $0xFFFFF800  }
0x12: {  	[tilespmem:s8], [sflag:$0x1] =	stream.linear.gather [hbm4b:s3+s2], $0x4000, $0x38;
	[tilespmem:$0x14800] =	vst v63  }
0x13: {  	_ =	swait.ge [sflag:s4], $0x4000  }
0x14: {  	[sflag:s4] =	ssyncset.done $0x0  }
0x15: {  	s18 =	simm.s32 $0x0;
	[sflag:s4] =	ssyncadd.s32 $0xFFFFC000  }
0x16: {  	v7 =	vld [tilespmem:s18+$0x0];
	_ =	sdelay $0x7  }
0x17: {  	v0 =	vld.idx.msk [tilespmem:v7+s8+$0x0], $0xffff  }
0x18: {  	v1 =	vadd.s32 $0x200, v7;
	_ =	sdelay $0x3  }
0x19: {  	[tilespmem:s18+$0x4800] =	vst v0  }
0x1a: {  	v0 =	vld.idx.msk [tilespmem:v1+s8+$0x0], $0xffff  }
0x1b: {  	v1 =	vadd.s32 $0x400, v7;
	_ =	sdelay $0x3  }
0x1c: {  	[tilespmem:s18+$0x5000] =	vst v0  }
0x1d: {  	v0 =	vld.idx.msk [tilespmem:v1+s8+$0x0], $0xffff  }
0x1e: {  	v1 =	vadd.s32 $0x600, v7;
	_ =	sdelay $0x3  }
0x1f: {  	[tilespmem:s18+$0x5800] =	vst v0  }
0x20: {  	v0 =	vld.idx.msk [tilespmem:v1+s8+$0x0], $0xffff  }
0x21: {  	s14 =	simm.s32 $0x10;
	v1 =	vadd.s32 $0x800, v7  }
0x22: {  	v2 =	vld [tilespmem:s14+$0x0];
	_ =	sdelay $0x2  }
0x23: {  	[tilespmem:s18+$0x6000] =	vst v0  }
0x24: {  	v0 =	vld.idx.msk [tilespmem:v1+s8+$0x0], $0xffff  }
0x25: {  	v1 =	vadd.s32 $0xA00, v7;
	_ =	sdelay $0x2  }
0x26: {  	v3 =	vld.idx.msk [tilespmem:v2+s8+$0x0], $0xffff  }
0x27: {  	[tilespmem:s18+$0x6800] =	vst v0;
	v0 =	vadd.s32 $0x200, v2  }
0x28: {  	v1 =	vld.idx.msk [tilespmem:v1+s8+$0x0], $0xffff  }
0x29: {  	v4 =	vadd.s32 $0xC00, v7;
	_ =	sdelay $0x1  }
0x2a: {  	[tilespmem:s14+$0x4800] =	vst v3  }
0x2b: {  	v0 =	vld.idx.msk [tilespmem:v0+s8+$0x0], $0xffff  }
0x2c: {  	[tilespmem:s18+$0x7000] =	vst v1;
	v1 =	vadd.s32 $0x400, v2  }
0x2d: {  	v3 =	vld.idx.msk [tilespmem:v4+s8+$0x0], $0xffff  }
0x2e: {  	v4 =	vadd.s32 $0xE00, v7;
	_ =	sdelay $0x1  }
0x2f: {  	[tilespmem:s14+$0x5000] =	vst v0  }
0x30: {  	v0 =	vld.idx.msk [tilespmem:v1+s8+$0x0], $0xffff  }
0x31: {  	v1 =	vadd.s32 $0x600, v2;
	[tilespmem:s18+$0x7800] =	vst v3  }
0x32: {  	v3 =	vld.idx.msk [tilespmem:v4+s8+$0x0], $0xffff  }
0x33: {  	v4 =	vadd.s32 $0x1000, v7;
	_ =	sdelay $0x1  }
0x34: {  	[tilespmem:s14+$0x5800] =	vst v0  }
0x35: {  	s12 =	simm.s32 $0x20;
	v1 =	vld.idx.msk [tilespmem:v1+s8+$0x0], $0xffff  }
0x36: {  	v0 =	vld [tilespmem:s12+$0x0];
	[tilespmem:s18+$0x8000] =	vst v3;
	v3 =	vadd.s32 $0x800, v2  }
0x37: {  	v4 =	vld.idx.msk [tilespmem:v4+s8+$0x0], $0xffff  }
0x38: {  	v5 =	vadd.s32 $0x1200, v7;
	_ =	sdelay $0x1  }
0x39: {  	[tilespmem:s14+$0x6000] =	vst v1  }
0x3a: {  	v1 =	vld.idx.msk [tilespmem:v3+s8+$0x0], $0xffff  }
0x3b: {  	v3 =	vadd.s32 $0xA00, v2;
	[tilespmem:s18+$0x8800] =	vst v4  }
0x3c: {  	v4 =	vld.idx.msk [tilespmem:v5+s8+$0x0], $0xffff  }
0x3d: {  	v5 =	vadd.s32 $0x1400, v7  }
0x3e: {  	v6 =	vld.idx.msk [tilespmem:v0+s8+$0x0], $0xffff  }
0x3f: {  	[tilespmem:s14+$0x6800] =	vst v1;
	v1 =	vadd.s32 $0x200, v0  }
0x40: {  	v3 =	vld.idx.msk [tilespmem:v3+s8+$0x0], $0xffff  }
0x41: {  	[tilespmem:s18+$0x9000] =	vst v4;
	v4 =	vadd.s32 $0xC00, v2  }
0x42: {  	v5 =	vld.idx.msk [tilespmem:v5+s8+$0x0], $0xffff  }
0x43: {  	[tilespmem:s12+$0x4800] =	vst v6;
	v6 =	vadd.s32 $0x1600, v7  }
0x44: {  	v1 =	vld.idx.msk [tilespmem:v1+s8+$0x0], $0xffff  }
0x45: {  	[tilespmem:s14+$0x7000] =	vst v3;
	v3 =	vadd.s32 $0x400, v0  }
0x46: {  	v4 =	vld.idx.msk [tilespmem:v4+s8+$0x0], $0xffff  }
0x47: {  	[tilespmem:s18+$0x9800] =	vst v5;
	v5 =	vadd.s32 $0xE00, v2  }
0x48: {  	v6 =	vld.idx.msk [tilespmem:v6+s8+$0x0], $0xffff  }
0x49: {  	[tilespmem:s12+$0x5000] =	vst v1;
	v1 =	vadd.s32 $0x1800, v7  }
0x4a: {  	v3 =	vld.idx.msk [tilespmem:v3+s8+$0x0], $0xffff  }
0x4b: {  	[tilespmem:s14+$0x7800] =	vst v4;
	v4 =	vadd.s32 $0x600, v0  }
0x4c: {  	v5 =	vld.idx.msk [tilespmem:v5+s8+$0x0], $0xffff  }
0x4d: {  	[tilespmem:s18+$0xA000] =	vst v6;
	v6 =	vadd.s32 $0x1000, v2  }
0x4e: {  	v8 =	vld.idx.msk [tilespmem:v1+s8+$0x0], $0xffff  }
0x4f: {  	[tilespmem:s12+$0x5800] =	vst v3;
	v3 =	vadd.s32 $0x1A00, v7  }
0x50: {  	v4 =	vld.idx.msk [tilespmem:v4+s8+$0x0], $0xffff  }
0x51: {  	[tilespmem:s14+$0x8000] =	vst v5;
	v5 =	vadd.s32 $0x800, v0  }
0x52: {  	s13 =	simm.s32 $0x30;
	v6 =	vld.idx.msk [tilespmem:v6+s8+$0x0], $0xffff  }
0x53: {  	v1 =	vld [tilespmem:s13+$0x0];
	[tilespmem:s18+$0xA800] =	vst v8;
	v8 =	vadd.s32 $0x1200, v2  }
0x54: {  	v3 =	vld.idx.msk [tilespmem:v3+s8+$0x0], $0xffff  }
0x55: {  	[tilespmem:s12+$0x6000] =	vst v4;
	v4 =	vadd.s32 $0x1C00, v7  }
0x56: {  	v5 =	vld.idx.msk [tilespmem:v5+s8+$0x0], $0xffff  }
0x57: {  	[tilespmem:s14+$0x8800] =	vst v6;
	v6 =	vadd.s32 $0xA00, v0  }
0x58: {  	v8 =	vld.idx.msk [tilespmem:v8+s8+$0x0], $0xffff  }
0x59: {  	[tilespmem:s18+$0xB000] =	vst v3;
	v3 =	vadd.s32 $0x1400, v2  }
0x5a: {  	v4 =	vld.idx.msk [tilespmem:v4+s8+$0x0], $0xffff  }
0x5b: {  	v9 =	vld.idx.msk [tilespmem:v1+s8+$0x0], $0xffff;
	[tilespmem:s12+$0x6800] =	vst v5;
	v5 =	vadd.s32 $0x1E00, v7  }
0x5c: {  	v10 =	vadd.s32 $0x200, v1;
	v6 =	vld.idx.msk [tilespmem:v6+s8+$0x0], $0xffff  }
0x5d: {  	[tilespmem:s14+$0x9000] =	vst v8;
	v8 =	vadd.s32 $0xC00, v0  }
0x5e: {  	v3 =	vld.idx.msk [tilespmem:v3+s8+$0x0], $0xffff  }
0x5f: {  	[tilespmem:s18+$0xB800] =	vst v4;
	v4 =	vadd.s32 $0x1600, v2  }
0x60: {  	[tilespmem:s13+$0x4800] =	vst v9;
	v5 =	vld.idx.msk [tilespmem:v5+s8+$0x0], $0xffff  }
0x61: {  	v9 =	vld.idx.msk [tilespmem:v10+s8+$0x0], $0xffff;
	[tilespmem:s12+$0x7000] =	vst v6;
	v6 =	vadd.s32 $0x2000, v7  }
0x62: {  	v10 =	vadd.s32 $0x400, v1;
	v8 =	vld.idx.msk [tilespmem:v8+s8+$0x0], $0xffff  }
0x63: {  	[tilespmem:s14+$0x9800] =	vst v3;
	v3 =	vadd.s32 $0xE00, v0  }
0x64: {  	v4 =	vld.idx.msk [tilespmem:v4+s8+$0x0], $0xffff  }
0x65: {  	[tilespmem:s18+$0xC000] =	vst v5;
	v5 =	vadd.s32 $0x1800, v2  }
0x66: {  	[tilespmem:s13+$0x5000] =	vst v9;
	v6 =	vld.idx.msk [tilespmem:v6+s8+$0x0], $0xffff  }
0x67: {  	v9 =	vld.idx.msk [tilespmem:v10+s8+$0x0], $0xffff;
	[tilespmem:s12+$0x7800] =	vst v8;
	v8 =	vadd.s32 $0x2200, v7  }
0x68: {  	v10 =	vadd.s32 $0x600, v1;
	v3 =	vld.idx.msk [tilespmem:v3+s8+$0x0], $0xffff  }
0x69: {  	[tilespmem:s14+$0xA000] =	vst v4;
	v4 =	vadd.s32 $0x1000, v0  }
0x6a: {  	v5 =	vld.idx.msk [tilespmem:v5+s8+$0x0], $0xffff  }
0x6b: {  	[tilespmem:s18+$0xC800] =	vst v6;
	v6 =	vadd.s32 $0x1A00, v2  }
0x6c: {  	[tilespmem:s13+$0x5800] =	vst v9;
	v8 =	vld.idx.msk [tilespmem:v8+s8+$0x0], $0xffff  }
0x6d: {  	v9 =	vld.idx.msk [tilespmem:v10+s8+$0x0], $0xffff;
	v10 =	vadd.s32 $0x2400, v7;
	[tilespmem:s12+$0x8000] =	vst v3  }
0x6e: {  	s15 =	simm.s32 $0x40;
	v11 =	vadd.s32 $0x800, v1;
	v4 =	vld.idx.msk [tilespmem:v4+s8+$0x0], $0xffff  }
0x6f: {  	v3 =	vld [tilespmem:s15+$0x0];
	[tilespmem:s14+$0xA800] =	vst v5;
	v5 =	vadd.s32 $0x1200, v0  }
0x70: {  	v6 =	vld.idx.msk [tilespmem:v6+s8+$0x0], $0xffff  }
0x71: {  	[tilespmem:s18+$0xD000] =	vst v8;
	v8 =	vadd.s32 $0x1C00, v2  }
0x72: {  	[tilespmem:s13+$0x6000] =	vst v9;
	v9 =	vld.idx.msk [tilespmem:v10+s8+$0x0], $0xffff  }
0x73: {  	v10 =	vld.idx.msk [tilespmem:v11+s8+$0x0], $0xffff;
	[tilespmem:s12+$0x8800] =	vst v4;
	v4 =	vadd.s32 $0x2600, v7  }
0x74: {  	v11 =	vadd.s32 $0xA00, v1;
	v5 =	vld.idx.msk [tilespmem:v5+s8+$0x0], $0xffff  }
0x75: {  	[tilespmem:s14+$0xB000] =	vst v6  }
0x76: {  	v6 =	vadd.s32 $0x1400, v0;
	v8 =	vld.idx.msk [tilespmem:v8+s8+$0x0], $0xffff  }
0x77: {  	v12 =	vld.idx.msk [tilespmem:v3+s8+$0x0], $0xffff;
	[tilespmem:s18+$0xD800] =	vst v9;
	v9 =	vadd.s32 $0x1E00, v2  }
0x78: {  	[tilespmem:s13+$0x6800] =	vst v10;
	v10 =	vadd.s32 $0x200, v3;
	v4 =	vld.idx.msk [tilespmem:v4+s8+$0x0], $0xffff  }
0x79: {  	v11 =	vld.idx.msk [tilespmem:v11+s8+$0x0], $0xffff;
	[tilespmem:s12+$0x9000] =	vst v5;
	v5 =	vadd.s32 $0x2800, v7  }
0x7a: {  	v13 =	vadd.s32 $0xC00, v1  }
0x7b: {  	v6 =	vld.idx.msk [tilespmem:v6+s8+$0x0], $0xffff;
	[tilespmem:s14+$0xB800] =	vst v8  }
0x7c: {  	[tilespmem:s15+$0x4800] =	vst v12;
	v8 =	vadd.s32 $0x1600, v0;
	v9 =	vld.idx.msk [tilespmem:v9+s8+$0x0], $0xffff  }
0x7d: {  	v10 =	vld.idx.msk [tilespmem:v10+s8+$0x0], $0xffff;
	[tilespmem:s18+$0xE000] =	vst v4;
	v4 =	vadd.s32 $0x2000, v2  }
0x7e: {  	[tilespmem:s13+$0x7000] =	vst v11;
	v11 =	vadd.s32 $0x400, v3;
	v5 =	vld.idx.msk [tilespmem:v5+s8+$0x0], $0xffff  }
0x7f: {  	v12 =	vld.idx.msk [tilespmem:v13+s8+$0x0], $0xffff  }
0x80: {  	[tilespmem:s12+$0x9800] =	vst v6;
	v6 =	vadd.s32 $0x2A00, v7  }
0x81: {  	v13 =	vadd.s32 $0xE00, v1;
	v8 =	vld.idx.msk [tilespmem:v8+s8+$0x0], $0xffff;
	[tilespmem:s14+$0xC000] =	vst v9  }
0x82: {  	v9 =	vadd.s32 $0x1800, v0;
	[tilespmem:s15+$0x5000] =	vst v10;
	v10 =	vld.idx.msk [tilespmem:v4+s8+$0x0], $0xffff  }
0x83: {  	s16 =	simm.s32 $0x50;
	v11 =	vld.idx.msk [tilespmem:v11+s8+$0x0], $0xffff;
	[tilespmem:s18+$0xE800] =	vst v5;
	v5 =	vadd.s32 $0x2200, v2  }
0x84: {  	v4 =	vld [tilespmem:s16+$0x0];
	[tilespmem:s13+$0x7800] =	vst v12;
	v12 =	vadd.s32 $0x600, v3  }
0x85: {  	v6 =	vld.idx.msk [tilespmem:v6+s8+$0x0], $0xffff  }
0x86: {  	v13 =	vld.idx.msk [tilespmem:v13+s8+$0x0], $0xffff;
	[tilespmem:s12+$0xA000] =	vst v8;
	v8 =	vadd.s32 $0x2C00, v7  }
0x87: {  	v14 =	vadd.s32 $0x1000, v1;
	v9 =	vld.idx.msk [tilespmem:v9+s8+$0x0], $0xffff;
	[tilespmem:s14+$0xC800] =	vst v10  }
0x88: {  	v10 =	vadd.s32 $0x1A00, v0;
	[tilespmem:s15+$0x5800] =	vst v11;
	v11 =	vld.idx.msk [tilespmem:v5+s8+$0x0], $0xffff  }
0x89: {  	s17 =	simm.s32 $0x60;
	v12 =	vld.idx.msk [tilespmem:v12+s8+$0x0], $0xffff  }
0x8a: {  	v5 =	vld [tilespmem:s17+$0x0];
	[tilespmem:s18+$0xF000] =	vst v6;
	v6 =	vadd.s32 $0x2400, v2  }
0x8b: {  	[tilespmem:s13+$0x8000] =	vst v13;
	v13 =	vadd.s32 $0x800, v3;
	v8 =	vld.idx.msk [tilespmem:v8+s8+$0x0], $0xffff  }
0x8c: {  	v14 =	vld.idx.msk [tilespmem:v14+s8+$0x0], $0xffff;
	[tilespmem:s12+$0xA800] =	vst v9;
	v9 =	vadd.s32 $0x2E00, v7  }
0x8d: {  	v15 =	vadd.s32 $0x1200, v1;
	v10 =	vld.idx.msk [tilespmem:v10+s8+$0x0], $0xffff  }
0x8e: {  	v16 =	vld.idx.msk [tilespmem:v4+s8+$0x0], $0xffff;
	[tilespmem:s14+$0xD000] =	vst v11  }
0x8f: {  	v11 =	vadd.s32 $0x1C00, v0;
	[tilespmem:s15+$0x6000] =	vst v12;
	v6 =	vld.idx.msk [tilespmem:v6+s8+$0x0], $0xffff  }
0x90: {  	v12 =	vld.idx.msk [tilespmem:v13+s8+$0x0], $0xffff;
	[tilespmem:s18+$0xF800] =	vst v8;
	v8 =	vadd.s32 $0x2600, v2  }
0x91: {  	v13 =	vadd.s32 $0xA00, v3;
	[tilespmem:s13+$0x8800] =	vst v14;
	v9 =	vld.idx.msk [tilespmem:v9+s8+$0x0], $0xffff  }
0x92: {  	v14 =	vld.idx.msk [tilespmem:v15+s8+$0x0], $0xffff;
	[tilespmem:s12+$0xB000] =	vst v10;
	v10 =	vadd.s32 $0x3000, v7  }
0x93: {  	[tilespmem:s16+$0x4800] =	vst v16;
	v15 =	vadd.s32 $0x1400, v1;
	v18 =	vld.idx.msk [tilespmem:v5+s8+$0x0], $0xffff  }
0x94: {  	v19 =	vadd.s32 $0x200, v5;
	v11 =	vld.idx.msk [tilespmem:v11+s8+$0x0], $0xffff;
	[tilespmem:s14+$0xD800] =	vst v6  }
0x95: {  	v6 =	vadd.s32 $0x1E00, v0;
	[tilespmem:s15+$0x6800] =	vst v12;
	v8 =	vld.idx.msk [tilespmem:v8+s8+$0x0], $0xffff  }
0x96: {  	v12 =	vadd.s32 $0x200, v4;
	v13 =	vld.idx.msk [tilespmem:v13+s8+$0x0], $0xffff;
	[tilespmem:s18+$0x10000] =	vst v9  }
0x97: {  	v9 =	vadd.s32 $0x2800, v2;
	[tilespmem:s13+$0x9000] =	vst v14;
	v10 =	vld.idx.msk [tilespmem:v10+s8+$0x0], $0xffff  }
0x98: {  	v14 =	vadd.s32 $0xC00, v3;
	[tilespmem:s17+$0x4800] =	vst v18;
	v15 =	vld.idx.msk [tilespmem:v15+s8+$0x0], $0xffff  }
0x99: {  	v18 =	vld.idx.msk [tilespmem:v19+s8+$0x0], $0xffff;
	[tilespmem:s12+$0xB800] =	vst v11;
	v11 =	vadd.s32 $0x3200, v7  }
0x9a: {  	v16 =	vadd.s32 $0x1600, v1;
	v6 =	vld.idx.msk [tilespmem:v6+s8+$0x0], $0xffff;
	[tilespmem:s14+$0xE000] =	vst v8  }
0x9b: {  	v12 =	vld.idx.msk [tilespmem:v12+s8+$0x0], $0xffff;
	v8 =	vadd.s32 $0x2000, v0;
	[tilespmem:s15+$0x7000] =	vst v13  }
0x9c: {  	v13 =	vadd.s32 $0x400, v4;
	v9 =	vld.idx.msk [tilespmem:v9+s8+$0x0], $0xffff;
	[tilespmem:s18+$0x10800] =	vst v10  }
0x9d: {  	v14 =	vld.idx.msk [tilespmem:v14+s8+$0x0], $0xffff;
	v10 =	vadd.s32 $0x2A00, v2;
	[tilespmem:s13+$0x9800] =	vst v15  }
0x9e: {  	v15 =	vadd.s32 $0xE00, v3;
	[tilespmem:s17+$0x5000] =	vst v18;
	v11 =	vld.idx.msk [tilespmem:v11+s8+$0x0], $0xffff  }
0x9f: {  	v16 =	vld.idx.msk [tilespmem:v16+s8+$0x0], $0xffff;
	[tilespmem:s12+$0xC000] =	vst v6;
	v6 =	vadd.s32 $0x3400, v7  }
0xa0: {  	[tilespmem:s16+$0x5000] =	vst v12;
	v12 =	vadd.s32 $0x1800, v1;
	v8 =	vld.idx.msk [tilespmem:v8+s8+$0x0], $0xffff  }
0xa1: {  	v19 =	vadd.s32 $0x400, v5;
	v13 =	vld.idx.msk [tilespmem:v13+s8+$0x0], $0xffff;
	[tilespmem:s14+$0xE800] =	vst v9  }
0xa2: {  	v9 =	vadd.s32 $0x2200, v0;
	[tilespmem:s15+$0x7800] =	vst v14;
	v10 =	vld.idx.msk [tilespmem:v10+s8+$0x0], $0xffff  }
0xa3: {  	v14 =	vadd.s32 $0x600, v4;
	v15 =	vld.idx.msk [tilespmem:v15+s8+$0x0], $0xffff;
	[tilespmem:s18+$0x11000] =	vst v11  }
0xa4: {  	v11 =	vadd.s32 $0x2C00, v2;
	[tilespmem:s13+$0xA000] =	vst v16;
	v6 =	vld.idx.msk [tilespmem:v6+s8+$0x0], $0xffff  }
0xa5: {  	v16 =	vadd.s32 $0x1000, v3;
	v12 =	vld.idx.msk [tilespmem:v12+s8+$0x0], $0xffff;
	[tilespmem:s12+$0xC800] =	vst v8  }
0xa6: {  	v18 =	vld.idx.msk [tilespmem:v19+s8+$0x0], $0xffff;
	v8 =	vadd.s32 $0x3600, v7;
	[tilespmem:s16+$0x5800] =	vst v13  }
0xa7: {  	v13 =	vadd.s32 $0x1A00, v1;
	v9 =	vld.idx.msk [tilespmem:v9+s8+$0x0], $0xffff;
	[tilespmem:s14+$0xF000] =	vst v10  }
0xa8: {  	v14 =	vld.idx.msk [tilespmem:v14+s8+$0x0], $0xffff;
	[tilespmem:s15+$0x8000] =	vst v15;
	v10 =	vadd.s32 $0x2400, v0  }
0xa9: {  	v15 =	vadd.s32 $0x800, v4;
	v11 =	vld.idx.msk [tilespmem:v11+s8+$0x0], $0xffff;
	[tilespmem:s18+$0x11800] =	vst v6  }
0xaa: {  	v16 =	vld.idx.msk [tilespmem:v16+s8+$0x0], $0xffff;
	[tilespmem:s13+$0xA800] =	vst v12;
	v12 =	vadd.s32 $0x2E00, v2  }
0xab: {  	v17 =	vadd.s32 $0x1200, v3;
	v8 =	vld.idx.msk [tilespmem:v8+s8+$0x0], $0xffff  }
0xac: {  	v13 =	vld.idx.msk [tilespmem:v13+s8+$0x0], $0xffff;
	[tilespmem:s12+$0xD000] =	vst v9;
	v9 =	vadd.s32 $0x3800, v7  }
0xad: {  	[tilespmem:s16+$0x6000] =	vst v14;
	v14 =	vadd.s32 $0x1C00, v1;
	v10 =	vld.idx.msk [tilespmem:v10+s8+$0x0], $0xffff  }
0xae: {  	v15 =	vld.idx.msk [tilespmem:v15+s8+$0x0], $0xffff;
	[tilespmem:s14+$0xF800] =	vst v11;
	v11 =	vadd.s32 $0x2600, v0  }
0xaf: {  	[tilespmem:s15+$0x8800] =	vst v16;
	v16 =	vadd.s32 $0xA00, v4;
	v12 =	vld.idx.msk [tilespmem:v12+s8+$0x0], $0xffff  }
0xb0: {  	v17 =	vld.idx.msk [tilespmem:v17+s8+$0x0], $0xffff;
	[tilespmem:s18+$0x12000] =	vst v8;
	v8 =	vadd.s32 $0x3000, v2  }
0xb1: {  	[tilespmem:s13+$0xB000] =	vst v13;
	v13 =	vadd.s32 $0x1400, v3;
	v9 =	vld.idx.msk [tilespmem:v9+s8+$0x0], $0xffff  }
0xb2: {  	v14 =	vld.idx.msk [tilespmem:v14+s8+$0x0], $0xffff;
	[tilespmem:s12+$0xD800] =	vst v10  }
0xb3: {  	v10 =	vadd.s32 $0x3A00, v7;
	[tilespmem:s16+$0x6800] =	vst v15;
	v11 =	vld.idx.msk [tilespmem:v11+s8+$0x0], $0xffff  }
0xb4: {  	v15 =	vadd.s32 $0x1E00, v1;
	v16 =	vld.idx.msk [tilespmem:v16+s8+$0x0], $0xffff;
	[tilespmem:s14+$0x10000] =	vst v12  }
0xb5: {  	[tilespmem:s15+$0x9000] =	vst v17;
	v17 =	vadd.s32 $0xC00, v4;
	v8 =	vld.idx.msk [tilespmem:v8+s8+$0x0], $0xffff  }
0xb6: {  	s19 =	simm.s32 $0x70;
	v12 =	vadd.s32 $0x2800, v0;
	v13 =	vld.idx.msk [tilespmem:v13+s8+$0x0], $0xffff;
	[tilespmem:s18+$0x12800] =	vst v9  }
0xb7: {  	v6 =	vld [tilespmem:s19+$0x0];
	[tilespmem:s13+$0xB800] =	vst v14;
	v9 =	vadd.s32 $0x3200, v2  }
0xb8: {  	v14 =	vadd.s32 $0x1600, v3;
	v10 =	vld.idx.msk [tilespmem:v10+s8+$0x0], $0xffff;
	[tilespmem:s12+$0xE000] =	vst v11  }
0xb9: {  	v15 =	vld.idx.msk [tilespmem:v15+s8+$0x0], $0xffff;
	v11 =	vadd.s32 $0x3C00, v7;
	[tilespmem:s16+$0x7000] =	vst v16  }
0xba: {  	v16 =	vadd.s32 $0x2000, v1;
	v17 =	vld.idx.msk [tilespmem:v17+s8+$0x0], $0xffff;
	[tilespmem:s14+$0x10800] =	vst v8  }
0xbb: {  	v12 =	vld.idx.msk [tilespmem:v12+s8+$0x0], $0xffff;
	[tilespmem:s15+$0x9800] =	vst v13;
	v13 =	vadd.s32 $0xE00, v4  }
0xbc: {  	[tilespmem:s17+$0x5800] =	vst v18;
	v8 =	vadd.s32 $0x2A00, v0;
	v9 =	vld.idx.msk [tilespmem:v9+s8+$0x0], $0xffff  }
0xbd: {  	v14 =	vld.idx.msk [tilespmem:v14+s8+$0x0], $0xffff;
	[tilespmem:s18+$0x13000] =	vst v10;
	v10 =	vadd.s32 $0x3400, v2  }
0xbe: {  	[tilespmem:s13+$0xC000] =	vst v15;
	v15 =	vadd.s32 $0x1800, v3;
	v11 =	vld.idx.msk [tilespmem:v11+s8+$0x0], $0xffff  }
0xbf: {  	v19 =	vadd.s32 $0x600, v5;
	v16 =	vld.idx.msk [tilespmem:v16+s8+$0x0], $0xffff;
	[tilespmem:s16+$0x7800] =	vst v17  }
0xc0: {  	v7 =	vadd.s32 $0x3E00, v7;
	[tilespmem:s12+$0xE800] =	vst v12;
	v13 =	vld.idx.msk [tilespmem:v13+s8+$0x0], $0xffff  }
0xc1: {  	v17 =	vadd.s32 $0x2200, v1;
	v8 =	vld.idx.msk [tilespmem:v8+s8+$0x0], $0xffff;
	[tilespmem:s14+$0x11000] =	vst v9  }
0xc2: {  	[tilespmem:s15+$0xA000] =	vst v14;
	v9 =	vadd.s32 $0x2C00, v0;
	v20 =	vld.idx.msk [tilespmem:v10+s8+$0x0], $0xffff  }
0xc3: {  	v14 =	vadd.s32 $0x1000, v4;
	v21 =	vld.idx.msk [tilespmem:v15+s8+$0x0], $0xffff;
	[tilespmem:s18+$0x13800] =	vst v11  }
0xc4: {  	v22 =	vadd.s32 $0x3600, v2;
	v15 =	vld.idx.msk [tilespmem:v19+s8+$0x0], $0xffff;
	[tilespmem:s13+$0xC800] =	vst v16  }
0xc5: {  	v12 =	vld.idx.msk [tilespmem:v7+s8+$0x0], $0xffff;
	[tilespmem:s16+$0x8000] =	vst v13;
	v13 =	vadd.s32 $0x1A00, v3  }
0xc6: {  	v10 =	vld.idx.msk [tilespmem:v17+s8+$0x0], $0xffff;
	[tilespmem:s12+$0xF000] =	vst v8  }
0xc7: {  	v11 =	vadd.s32 $0x2400, v1;
	v9 =	vld.idx.msk [tilespmem:v9+s8+$0x0], $0xffff  }
0xc8: {  	v16 =	vadd.s32 $0x800, v5;
	v14 =	vld.idx.msk [tilespmem:v14+s8+$0x0], $0xffff;
	[tilespmem:s14+$0x11800] =	vst v20  }
0xc9: {  	s20 =	simm.s32 $0x200;
	v7 =	vadd.s32 $0x2E00, v0;
	[tilespmem:s15+$0xA800] =	vst v21;
	v8 =	vld.idx.msk [tilespmem:v22+s8+$0x0], $0xffff  }
.LBB2_2:
0xca: {  	s21 =	sshra.s32 s20, $0x2;
	p0 =	sne.s32 s20, $0x1FC0;
	v17 =	vadd.s32 $0x1200, v4;
	v13 =	vld.idx.msk [tilespmem:v13+s8+$0x0], $0xffff;
	[tilespmem:s18+$0x14000] =	vst v12;
	s18 =	smov.u32 s14  }
0xcb: {  	s14 =	smov.u32 s12;
	s12 =	smov.u32 s13;
	v12 =	vld [tilespmem:s21+$0x0];
	[tilespmem:s13+$0xD000] =	vst v10;
	v10 =	vadd.s32 $0x3800, v2;
	s13 =	smov.u32 s15  }
0xcc: {  	s15 =	smov.u32 s16;
	s16 =	smov.u32 s17;
	[tilespmem:s17+$0x6000] =	vst v15;
	v15 =	vadd.s32 $0x1C00, v3;
	v11 =	vld.idx.msk [tilespmem:v11+s8+$0x0], $0xffff;
	s17 =	smov.u32 s19  }
0xcd: {  	s19 =	smov.u32 s21;
	v16 =	vld.idx.msk [tilespmem:v16+s8+$0x0], $0xffff;
	[tilespmem:s14+$0xF800] =	vst v9  }
0xce: {  	v9 =	vadd.s32 $0x2600, v1;
	[tilespmem:s15+$0x8800] =	vst v14;
	v7 =	vld.idx.msk [tilespmem:v7+s8+$0x0], $0xffff  }
0xcf: {  	v14 =	vadd.s32 $0xA00, v5;
	v17 =	vld.idx.msk [tilespmem:v17+s8+$0x0], $0xffff;
	[tilespmem:s18+$0x12000] =	vst v8  }
0xd0: {  	v8 =	vadd.s32 $0x3000, v0;
	[tilespmem:s13+$0xB000] =	vst v13;
	v10 =	vld.idx.msk [tilespmem:v10+s8+$0x0], $0xffff  }
0xd1: {  	v13 =	vadd.s32 $0x1400, v4;
	v15 =	vld.idx.msk [tilespmem:v15+s8+$0x0], $0xffff  }
0xd2: {  	v18 =	vld.idx.msk [tilespmem:v6+s8+$0x0], $0xffff;
	[tilespmem:s12+$0xD800] =	vst v11;
	v11 =	vadd.s32 $0x3A00, v2  }
0xd3: {  	[tilespmem:s16+$0x6800] =	vst v16;
	v16 =	vadd.s32 $0x1E00, v3;
	v9 =	vld.idx.msk [tilespmem:v9+s8+$0x0], $0xffff  }
0xd4: {  	v19 =	vadd.s32 $0x200, v6;
	v14 =	vld.idx.msk [tilespmem:v14+s8+$0x0], $0xffff;
	[tilespmem:s14+$0x10000] =	vst v7  }
0xd5: {  	v7 =	vadd.s32 $0x2800, v1;
	[tilespmem:s15+$0x9000] =	vst v17;
	v8 =	vld.idx.msk [tilespmem:v8+s8+$0x0], $0xffff  }
0xd6: {  	v17 =	vadd.s32 $0xC00, v5;
	v13 =	vld.idx.msk [tilespmem:v13+s8+$0x0], $0xffff;
	[tilespmem:s18+$0x12800] =	vst v10  }
0xd7: {  	v10 =	vadd.s32 $0x3200, v0;
	[tilespmem:s13+$0xB800] =	vst v15;
	v11 =	vld.idx.msk [tilespmem:v11+s8+$0x0], $0xffff  }
0xd8: {  	v15 =	vadd.s32 $0x1600, v4;
	[tilespmem:s17+$0x4800] =	vst v18;
	v16 =	vld.idx.msk [tilespmem:v16+s8+$0x0], $0xffff  }
0xd9: {  	v18 =	vld.idx.msk [tilespmem:v19+s8+$0x0], $0xffff;
	[tilespmem:s12+$0xE000] =	vst v9;
	v9 =	vadd.s32 $0x3C00, v2  }
0xda: {  	[tilespmem:s16+$0x7000] =	vst v14;
	v14 =	vadd.s32 $0x2000, v3;
	v7 =	vld.idx.msk [tilespmem:v7+s8+$0x0], $0xffff  }
0xdb: {  	v19 =	vadd.s32 $0x400, v6;
	v17 =	vld.idx.msk [tilespmem:v17+s8+$0x0], $0xffff;
	[tilespmem:s14+$0x10800] =	vst v8  }
0xdc: {  	v8 =	vadd.s32 $0x2A00, v1;
	[tilespmem:s15+$0x9800] =	vst v13;
	v10 =	vld.idx.msk [tilespmem:v10+s8+$0x0], $0xffff  }
0xdd: {  	v13 =	vadd.s32 $0xE00, v5;
	v15 =	vld.idx.msk [tilespmem:v15+s8+$0x0], $0xffff;
	[tilespmem:s18+$0x13000] =	vst v11  }
0xde: {  	v11 =	vadd.s32 $0x3400, v0;
	[tilespmem:s13+$0xC000] =	vst v16;
	v9 =	vld.idx.msk [tilespmem:v9+s8+$0x0], $0xffff  }
0xdf: {  	v16 =	vadd.s32 $0x1800, v4;
	[tilespmem:s17+$0x5000] =	vst v18;
	v14 =	vld.idx.msk [tilespmem:v14+s8+$0x0], $0xffff  }
0xe0: {  	v18 =	vld.idx.msk [tilespmem:v19+s8+$0x0], $0xffff;
	[tilespmem:s12+$0xE800] =	vst v7;
	v7 =	vadd.s32 $0x3E00, v2;
	v2 =	vmovc v0;
	v0 =	vmovc v1;
	v1 =	vmov v3;
	v3 =	vmov v4  }
0xe1: {  	v4 =	vmovc v5;
	v5 =	vmov v6;
	v6 =	vmov v12;
	[tilespmem:s16+$0x7800] =	vst v17;
	v17 =	vadd.s32 $0x2200, v1;
	v8 =	vld.idx.msk [tilespmem:v8+s8+$0x0], $0xffff  }
0xe2: {  	v19 =	vadd.s32 $0x600, v5;
	v20 =	vld.idx.msk [tilespmem:v13+s8+$0x0], $0xffff;
	[tilespmem:s14+$0x11000] =	vst v10  }
0xe3: {  	v21 =	vadd.s32 $0x2C00, v0;
	[tilespmem:s15+$0xA000] =	vst v15;
	v22 =	vld.idx.msk [tilespmem:v11+s8+$0x0], $0xffff  }
0xe4: {  	v23 =	vadd.s32 $0x1000, v4;
	v24 =	vld.idx.msk [tilespmem:v16+s8+$0x0], $0xffff;
	[tilespmem:s18+$0x13800] =	vst v9  }
0xe5: {  	v25 =	vadd.s32 $0x3600, v2;
	[tilespmem:s13+$0xC800] =	vst v14;
	v12 =	vld.idx.msk [tilespmem:v7+s8+$0x0], $0xffff  }
.Ltmp0:
0xe6: {  	v13 =	vadd.s32 $0x1A00, v3;
	[tilespmem:s17+$0x5800] =	vst v18;
	v10 =	vld.idx.msk [tilespmem:v17+s8+$0x0], $0xffff;
	(pc) =	sbr.rel @p0 .LBB2_2-.Ltmp0, $4  }
0xe7: {  	v15 =	vld.idx.msk [tilespmem:v19+s8+$0x0], $0xffff;
	[tilespmem:s12+$0xF000] =	vst v8  }
0xe8: {  	v11 =	vadd.s32 $0x2400, v1;
	[tilespmem:s16+$0x8000] =	vst v20;
	v9 =	vld.idx.msk [tilespmem:v21+s8+$0x0], $0xffff  }
0xe9: {  	v16 =	vadd.s32 $0x800, v5;
	v14 =	vld.idx.msk [tilespmem:v23+s8+$0x0], $0xffff;
	[tilespmem:s14+$0x11800] =	vst v22  }
0xea: {  	s20 =	sadd.s32 $0x40, s20;
	v7 =	vadd.s32 $0x2E00, v0;
	[tilespmem:s15+$0xA800] =	vst v24;
	v8 =	vld.idx.msk [tilespmem:v25+s8+$0x0], $0xffff  }
0xeb: {  	_ =	sdelay $0x3  }
0xec: {  	v17 =	vld.idx.msk [tilespmem:v6+s8+$0x0], $0xffff  }
0xed: {  	v18 =	vadd.s32 $0x200, v6;
	_ =	sdelay $0x3  }
0xee: {  	[tilespmem:s19+$0x4800] =	vst v17  }
0xef: {  	v17 =	vld.idx.msk [tilespmem:v18+s8+$0x0], $0xffff  }
0xf0: {  	v56 =	vadd.s32 $0x400, v6;
	_ =	sdelay $0x3  }
0xf1: {  	[tilespmem:s19+$0x5000] =	vst v17  }
0xf2: {  	v17 =	vld.idx.msk [tilespmem:v56+s8+$0x0], $0xffff  }
0xf3: {  	v57 =	vadd.s32 $0x600, v6;
	_ =	sdelay $0x3  }
0xf4: {  	[tilespmem:s19+$0x5800] =	vst v17  }
0xf5: {  	v17 =	vld.idx.msk [tilespmem:v57+s8+$0x0], $0xffff  }
0xf6: {  	v58 =	vadd.s32 $0x800, v6;
	_ =	sdelay $0x2  }
0xf7: {  	[tilespmem:s17+$0x6000] =	vst v15  }
0xf8: {  	v15 =	vld.idx.msk [tilespmem:v16+s8+$0x0], $0xffff;
	[tilespmem:s19+$0x6000] =	vst v17  }
0xf9: {  	v59 =	vadd.s32 $0xA00, v5;
	v17 =	vld.idx.msk [tilespmem:v58+s8+$0x0], $0xffff  }
0xfa: {  	v60 =	vadd.s32 $0xA00, v6;
	_ =	sdelay $0x2  }
0xfb: {  	[tilespmem:s17+$0x6800] =	vst v15  }
0xfc: {  	v15 =	vld.idx.msk [tilespmem:v59+s8+$0x0], $0xffff;
	[tilespmem:s19+$0x6800] =	vst v17  }
0xfd: {  	v61 =	vadd.s32 $0xC00, v5;
	v17 =	vld.idx.msk [tilespmem:v60+s8+$0x0], $0xffff  }
0xfe: {  	v62 =	vadd.s32 $0xC00, v6;
	_ =	sdelay $0x2  }
0xff: {  	[tilespmem:s17+$0x7000] =	vst v15  }
0x100: {  	v15 =	vld.idx.msk [tilespmem:v61+s8+$0x0], $0xffff;
	[tilespmem:s19+$0x7000] =	vst v17  }
0x101: {  	v63 =	vadd.s32 $0xE00, v5;
	v17 =	vld.idx.msk [tilespmem:v62+s8+$0x0], $0xffff  }
0x102: {  	v21 =	vadd.s32 $0xE00, v6;
	_ =	sdelay $0x2  }
0x103: {  	[tilespmem:s17+$0x7800] =	vst v15  }
0x104: {  	v15 =	vld.idx.msk [tilespmem:v63+s8+$0x0], $0xffff;
	[tilespmem:s19+$0x7800] =	vst v17  }
0x105: {  	v22 =	vadd.s32 $0x1000, v5;
	v17 =	vld.idx.msk [tilespmem:v21+s8+$0x0], $0xffff  }
0x106: {  	v23 =	vadd.s32 $0x1000, v6;
	_ =	sdelay $0x2  }
0x107: {  	v24 =	vadd.s32 $0x1200, v4;
	[tilespmem:s17+$0x8000] =	vst v15  }
0x108: {  	v16 =	vld.idx.msk [tilespmem:v22+s8+$0x0], $0xffff;
	[tilespmem:s19+$0x8000] =	vst v17  }
0x109: {  	v25 =	vadd.s32 $0x1200, v5;
	v18 =	vld.idx.msk [tilespmem:v23+s8+$0x0], $0xffff  }
0x10a: {  	v19 =	vadd.s32 $0x1200, v6  }
0x10b: {  	[tilespmem:s16+$0x8800] =	vst v14  }
0x10c: {  	v14 =	vld.idx.msk [tilespmem:v24+s8+$0x0], $0xffff  }
0x10d: {  	v26 =	vadd.s32 $0x1400, v4;
	[tilespmem:s17+$0x8800] =	vst v16  }
0x10e: {  	v16 =	vld.idx.msk [tilespmem:v25+s8+$0x0], $0xffff;
	[tilespmem:s19+$0x8800] =	vst v18  }
0x10f: {  	v27 =	vadd.s32 $0x1400, v5;
	v18 =	vld.idx.msk [tilespmem:v19+s8+$0x0], $0xffff  }
0x110: {  	v28 =	vadd.s32 $0x1400, v6  }
0x111: {  	[tilespmem:s16+$0x9000] =	vst v14  }
0x112: {  	v14 =	vld.idx.msk [tilespmem:v26+s8+$0x0], $0xffff  }
0x113: {  	v29 =	vadd.s32 $0x1600, v4;
	[tilespmem:s17+$0x9000] =	vst v16  }
0x114: {  	v16 =	vld.idx.msk [tilespmem:v27+s8+$0x0], $0xffff;
	[tilespmem:s19+$0x9000] =	vst v18  }
0x115: {  	v30 =	vadd.s32 $0x1600, v5;
	v18 =	vld.idx.msk [tilespmem:v28+s8+$0x0], $0xffff  }
0x116: {  	v31 =	vadd.s32 $0x1600, v6  }
0x117: {  	[tilespmem:s16+$0x9800] =	vst v14  }
0x118: {  	v14 =	vld.idx.msk [tilespmem:v29+s8+$0x0], $0xffff  }
0x119: {  	v32 =	vadd.s32 $0x1800, v4;
	[tilespmem:s17+$0x9800] =	vst v16  }
0x11a: {  	v16 =	vld.idx.msk [tilespmem:v30+s8+$0x0], $0xffff;
	[tilespmem:s19+$0x9800] =	vst v18  }
0x11b: {  	v33 =	vadd.s32 $0x1800, v5;
	v18 =	vld.idx.msk [tilespmem:v31+s8+$0x0], $0xffff  }
0x11c: {  	v34 =	vadd.s32 $0x1800, v6  }
0x11d: {  	[tilespmem:s16+$0xA000] =	vst v14  }
0x11e: {  	v14 =	vld.idx.msk [tilespmem:v32+s8+$0x0], $0xffff  }
0x11f: {  	v35 =	vadd.s32 $0x1A00, v4;
	[tilespmem:s17+$0xA000] =	vst v16  }
0x120: {  	v16 =	vld.idx.msk [tilespmem:v33+s8+$0x0], $0xffff;
	[tilespmem:s19+$0xA000] =	vst v18  }
0x121: {  	v36 =	vadd.s32 $0x1A00, v5;
	v18 =	vld.idx.msk [tilespmem:v34+s8+$0x0], $0xffff  }
0x122: {  	v37 =	vadd.s32 $0x1A00, v6  }
0x123: {  	v13 =	vld.idx.msk [tilespmem:v13+s8+$0x0], $0xffff;
	[tilespmem:s16+$0xA800] =	vst v14  }
0x124: {  	v38 =	vadd.s32 $0x1C00, v3;
	v15 =	vld.idx.msk [tilespmem:v35+s8+$0x0], $0xffff  }
0x125: {  	v39 =	vadd.s32 $0x1C00, v4;
	[tilespmem:s17+$0xA800] =	vst v16  }
0x126: {  	v17 =	vld.idx.msk [tilespmem:v36+s8+$0x0], $0xffff;
	[tilespmem:s19+$0xA800] =	vst v18  }
0x127: {  	v40 =	vadd.s32 $0x1C00, v5;
	v19 =	vld.idx.msk [tilespmem:v37+s8+$0x0], $0xffff  }
0x128: {  	v20 =	vadd.s32 $0x1C00, v6;
	[tilespmem:s15+$0xB000] =	vst v13  }
0x129: {  	v13 =	vld.idx.msk [tilespmem:v38+s8+$0x0], $0xffff;
	[tilespmem:s16+$0xB000] =	vst v15  }
0x12a: {  	v41 =	vadd.s32 $0x1E00, v3;
	v15 =	vld.idx.msk [tilespmem:v39+s8+$0x0], $0xffff  }
0x12b: {  	v42 =	vadd.s32 $0x1E00, v4;
	[tilespmem:s17+$0xB000] =	vst v17  }
0x12c: {  	v17 =	vld.idx.msk [tilespmem:v40+s8+$0x0], $0xffff;
	[tilespmem:s19+$0xB000] =	vst v19  }
0x12d: {  	v43 =	vadd.s32 $0x1E00, v5;
	v19 =	vld.idx.msk [tilespmem:v20+s8+$0x0], $0xffff  }
0x12e: {  	v44 =	vadd.s32 $0x1E00, v6;
	[tilespmem:s15+$0xB800] =	vst v13  }
0x12f: {  	v13 =	vld.idx.msk [tilespmem:v41+s8+$0x0], $0xffff;
	[tilespmem:s16+$0xB800] =	vst v15  }
0x130: {  	v45 =	vadd.s32 $0x2000, v3;
	v15 =	vld.idx.msk [tilespmem:v42+s8+$0x0], $0xffff  }
0x131: {  	v46 =	vadd.s32 $0x2000, v4;
	[tilespmem:s17+$0xB800] =	vst v17  }
0x132: {  	v17 =	vld.idx.msk [tilespmem:v43+s8+$0x0], $0xffff;
	[tilespmem:s19+$0xB800] =	vst v19  }
0x133: {  	v47 =	vadd.s32 $0x2000, v5;
	v19 =	vld.idx.msk [tilespmem:v44+s8+$0x0], $0xffff  }
0x134: {  	v48 =	vadd.s32 $0x2000, v6;
	[tilespmem:s15+$0xC000] =	vst v13  }
0x135: {  	v13 =	vld.idx.msk [tilespmem:v45+s8+$0x0], $0xffff;
	[tilespmem:s16+$0xC000] =	vst v15  }
0x136: {  	v49 =	vadd.s32 $0x2200, v3;
	v15 =	vld.idx.msk [tilespmem:v46+s8+$0x0], $0xffff  }
0x137: {  	v50 =	vadd.s32 $0x2200, v4;
	[tilespmem:s17+$0xC000] =	vst v17  }
0x138: {  	v17 =	vld.idx.msk [tilespmem:v47+s8+$0x0], $0xffff;
	[tilespmem:s19+$0xC000] =	vst v19  }
0x139: {  	v51 =	vadd.s32 $0x2200, v5;
	v19 =	vld.idx.msk [tilespmem:v48+s8+$0x0], $0xffff  }
0x13a: {  	v52 =	vadd.s32 $0x2200, v6;
	[tilespmem:s15+$0xC800] =	vst v13  }
0x13b: {  	v13 =	vld.idx.msk [tilespmem:v49+s8+$0x0], $0xffff;
	[tilespmem:s16+$0xC800] =	vst v15  }
0x13c: {  	[tilespmem:s18+$0x14000] =	vst v12;
	v53 =	vadd.s32 $0x2400, v3;
	v15 =	vld.idx.msk [tilespmem:v50+s8+$0x0], $0xffff  }
0x13d: {  	v54 =	vadd.s32 $0x2400, v4;
	[tilespmem:s17+$0xC800] =	vst v17  }
0x13e: {  	v17 =	vld.idx.msk [tilespmem:v51+s8+$0x0], $0xffff;
	[tilespmem:s19+$0xC800] =	vst v19  }
0x13f: {  	[tilespmem:s13+$0xD000] =	vst v10;
	v55 =	vadd.s32 $0x2400, v5;
	v12 =	vld.idx.msk [tilespmem:v52+s8+$0x0], $0xffff  }
0x140: {  	v11 =	vld.idx.msk [tilespmem:v11+s8+$0x0], $0xffff;
	v56 =	vadd.s32 $0x2400, v6;
	[tilespmem:s15+$0xD000] =	vst v13  }
0x141: {  	v57 =	vadd.s32 $0x2600, v1;
	v14 =	vld.idx.msk [tilespmem:v53+s8+$0x0], $0xffff;
	[tilespmem:s16+$0xD000] =	vst v15  }
0x142: {  	[tilespmem:s12+$0xF800] =	vst v9;
	v58 =	vadd.s32 $0x2600, v3;
	v16 =	vld.idx.msk [tilespmem:v54+s8+$0x0], $0xffff  }
0x143: {  	v59 =	vadd.s32 $0x2600, v4;
	[tilespmem:s17+$0xD000] =	vst v17  }
0x144: {  	v10 =	vld.idx.msk [tilespmem:v55+s8+$0x0], $0xffff;
	[tilespmem:s19+$0xD000] =	vst v12  }
0x145: {  	[tilespmem:s13+$0xD800] =	vst v11;
	v60 =	vadd.s32 $0x2600, v5;
	v9 =	vld.idx.msk [tilespmem:v56+s8+$0x0], $0xffff  }
0x146: {  	v61 =	vadd.s32 $0x2600, v6;
	v13 =	vld.idx.msk [tilespmem:v57+s8+$0x0], $0xffff;
	[tilespmem:s15+$0xD800] =	vst v14  }
0x147: {  	v63 =	vadd.s32 $0x2800, v1;
	v15 =	vld.idx.msk [tilespmem:v58+s8+$0x0], $0xffff;
	[tilespmem:s16+$0xD800] =	vst v16  }
0x148: {  	[tilespmem:s14+$0x12000] =	vst v8;
	v20 =	vadd.s32 $0x2800, v3;
	v17 =	vld.idx.msk [tilespmem:v59+s8+$0x0], $0xffff  }
0x149: {  	v7 =	vld.idx.msk [tilespmem:v7+s8+$0x0], $0xffff;
	v21 =	vadd.s32 $0x2800, v4;
	[tilespmem:s17+$0xD800] =	vst v10  }
0x14a: {  	v62 =	vadd.s32 $0x3800, v2;
	v8 =	vld.idx.msk [tilespmem:v60+s8+$0x0], $0xffff;
	[tilespmem:s19+$0xD800] =	vst v9  }
0x14b: {  	v22 =	vadd.s32 $0x2800, v5;
	[tilespmem:s13+$0xE000] =	vst v13;
	v9 =	vld.idx.msk [tilespmem:v61+s8+$0x0], $0xffff  }
0x14c: {  	v24 =	vadd.s32 $0x2800, v6;
	v14 =	vld.idx.msk [tilespmem:v63+s8+$0x0], $0xffff;
	[tilespmem:s15+$0xE000] =	vst v15  }
0x14d: {  	v26 =	vadd.s32 $0x2A00, v1;
	v16 =	vld.idx.msk [tilespmem:v20+s8+$0x0], $0xffff;
	[tilespmem:s16+$0xE000] =	vst v17  }
0x14e: {  	[tilespmem:s12+$0x10000] =	vst v7;
	v27 =	vadd.s32 $0x2A00, v3;
	v10 =	vld.idx.msk [tilespmem:v21+s8+$0x0], $0xffff  }
0x14f: {  	v23 =	vld.idx.msk [tilespmem:v62+s8+$0x0], $0xffff;
	v28 =	vadd.s32 $0x2A00, v4;
	[tilespmem:s17+$0xE000] =	vst v8  }
0x150: {  	v33 =	vadd.s32 $0x3A00, v2;
	v7 =	vld.idx.msk [tilespmem:v22+s8+$0x0], $0xffff;
	[tilespmem:s19+$0xE000] =	vst v9  }
0x151: {  	v29 =	vadd.s32 $0x2A00, v5;
	[tilespmem:s13+$0xE800] =	vst v14;
	v30 =	vld.idx.msk [tilespmem:v24+s8+$0x0], $0xffff  }
0x152: {  	v32 =	vadd.s32 $0x2A00, v6;
	v15 =	vld.idx.msk [tilespmem:v26+s8+$0x0], $0xffff;
	[tilespmem:s15+$0xE800] =	vst v16  }
0x153: {  	v34 =	vadd.s32 $0x2C00, v1;
	v17 =	vld.idx.msk [tilespmem:v27+s8+$0x0], $0xffff;
	[tilespmem:s16+$0xE800] =	vst v10  }
0x154: {  	v35 =	vadd.s32 $0x2C00, v3;
	[tilespmem:s14+$0x12800] =	vst v23;
	v8 =	vld.idx.msk [tilespmem:v28+s8+$0x0], $0xffff  }
0x155: {  	v39 =	vld.idx.msk [tilespmem:v33+s8+$0x0], $0xffff;
	v36 =	vadd.s32 $0x2C00, v4;
	[tilespmem:s17+$0xE800] =	vst v7  }
0x156: {  	v25 =	vadd.s32 $0x3000, v0;
	v9 =	vld.idx.msk [tilespmem:v29+s8+$0x0], $0xffff;
	[tilespmem:s19+$0xE800] =	vst v30  }
0x157: {  	[tilespmem:s13+$0xF000] =	vst v15;
	v37 =	vadd.s32 $0x2C00, v5;
	v38 =	vld.idx.msk [tilespmem:v32+s8+$0x0], $0xffff  }
0x158: {  	v40 =	vadd.s32 $0x2C00, v6;
	v16 =	vld.idx.msk [tilespmem:v34+s8+$0x0], $0xffff;
	[tilespmem:s15+$0xF000] =	vst v17  }
0x159: {  	v42 =	vadd.s32 $0x2E00, v1;
	v10 =	vld.idx.msk [tilespmem:v35+s8+$0x0], $0xffff;
	[tilespmem:s16+$0xF000] =	vst v8  }
0x15a: {  	[tilespmem:s14+$0x13000] =	vst v39;
	v43 =	vadd.s32 $0x2E00, v3;
	v7 =	vld.idx.msk [tilespmem:v36+s8+$0x0], $0xffff  }
0x15b: {  	v31 =	vld.idx.msk [tilespmem:v25+s8+$0x0], $0xffff;
	v44 =	vadd.s32 $0x2E00, v4;
	[tilespmem:s17+$0xF000] =	vst v9  }
0x15c: {  	v41 =	vadd.s32 $0x3200, v0;
	v11 =	vld.idx.msk [tilespmem:v37+s8+$0x0], $0xffff;
	[tilespmem:s19+$0xF000] =	vst v38  }
0x15d: {  	v45 =	vadd.s32 $0x2E00, v5;
	[tilespmem:s13+$0xF800] =	vst v16;
	v46 =	vld.idx.msk [tilespmem:v40+s8+$0x0], $0xffff  }
0x15e: {  	v48 =	vadd.s32 $0x2E00, v6;
	v17 =	vld.idx.msk [tilespmem:v42+s8+$0x0], $0xffff;
	[tilespmem:s15+$0xF800] =	vst v10  }
0x15f: {  	v50 =	vadd.s32 $0x3000, v1;
	v8 =	vld.idx.msk [tilespmem:v43+s8+$0x0], $0xffff;
	[tilespmem:s16+$0xF800] =	vst v7  }
0x160: {  	[tilespmem:s12+$0x10800] =	vst v31;
	v51 =	vadd.s32 $0x3000, v3;
	v9 =	vld.idx.msk [tilespmem:v44+s8+$0x0], $0xffff  }
0x161: {  	v47 =	vld.idx.msk [tilespmem:v41+s8+$0x0], $0xffff;
	v52 =	vadd.s32 $0x3000, v4;
	[tilespmem:s17+$0xF800] =	vst v11  }
0x162: {  	v57 =	vadd.s32 $0x3400, v0;
	v12 =	vld.idx.msk [tilespmem:v45+s8+$0x0], $0xffff;
	[tilespmem:s19+$0xF800] =	vst v46  }
0x163: {  	v53 =	vadd.s32 $0x3000, v5;
	[tilespmem:s13+$0x10000] =	vst v17;
	v54 =	vld.idx.msk [tilespmem:v48+s8+$0x0], $0xffff  }
0x164: {  	v10 =	vld.idx.msk [tilespmem:v50+s8+$0x0], $0xffff;
	v56 =	vadd.s32 $0x3000, v6;
	[tilespmem:s15+$0x10000] =	vst v8  }
0x165: {  	v58 =	vadd.s32 $0x3200, v1;
	v7 =	vld.idx.msk [tilespmem:v51+s8+$0x0], $0xffff;
	[tilespmem:s16+$0x10000] =	vst v9  }
0x166: {  	[tilespmem:s12+$0x11000] =	vst v47;
	v59 =	vadd.s32 $0x3200, v3;
	v11 =	vld.idx.msk [tilespmem:v52+s8+$0x0], $0xffff  }
0x167: {  	v63 =	vld.idx.msk [tilespmem:v57+s8+$0x0], $0xffff;
	v60 =	vadd.s32 $0x3200, v4;
	[tilespmem:s17+$0x10000] =	vst v12  }
0x168: {  	v49 =	vadd.s32 $0x3C00, v2;
	v13 =	vld.idx.msk [tilespmem:v53+s8+$0x0], $0xffff;
	[tilespmem:s19+$0x10000] =	vst v54  }
0x169: {  	[tilespmem:s13+$0x10800] =	vst v10;
	v61 =	vadd.s32 $0x3200, v5;
	v62 =	vld.idx.msk [tilespmem:v56+s8+$0x0], $0xffff  }
0x16a: {  	v20 =	vadd.s32 $0x3200, v6;
	v8 =	vld.idx.msk [tilespmem:v58+s8+$0x0], $0xffff;
	[tilespmem:s15+$0x10800] =	vst v7  }
0x16b: {  	v22 =	vadd.s32 $0x3400, v1;
	v9 =	vld.idx.msk [tilespmem:v59+s8+$0x0], $0xffff;
	[tilespmem:s16+$0x10800] =	vst v11  }
0x16c: {  	v23 =	vadd.s32 $0x3400, v3;
	[tilespmem:s12+$0x11800] =	vst v63;
	v12 =	vld.idx.msk [tilespmem:v60+s8+$0x0], $0xffff  }
0x16d: {  	v55 =	vld.idx.msk [tilespmem:v49+s8+$0x0], $0xffff;
	v24 =	vadd.s32 $0x3400, v4;
	[tilespmem:s17+$0x10800] =	vst v13  }
0x16e: {  	v21 =	vadd.s32 $0x3E00, v2;
	v14 =	vld.idx.msk [tilespmem:v61+s8+$0x0], $0xffff;
	[tilespmem:s19+$0x10800] =	vst v62  }
0x16f: {  	v25 =	vadd.s32 $0x3400, v5;
	[tilespmem:s13+$0x11000] =	vst v8;
	v10 =	vld.idx.msk [tilespmem:v20+s8+$0x0], $0xffff  }
0x170: {  	v26 =	vadd.s32 $0x3400, v6;
	v7 =	vld.idx.msk [tilespmem:v22+s8+$0x0], $0xffff;
	[tilespmem:s15+$0x11000] =	vst v9  }
0x171: {  	v28 =	vadd.s32 $0x3600, v1;
	v11 =	vld.idx.msk [tilespmem:v23+s8+$0x0], $0xffff;
	[tilespmem:s16+$0x11000] =	vst v12  }
0x172: {  	[tilespmem:s14+$0x13800] =	vst v55;
	v29 =	vadd.s32 $0x3600, v3;
	v13 =	vld.idx.msk [tilespmem:v24+s8+$0x0], $0xffff  }
0x173: {  	v2 =	vld.idx.msk [tilespmem:v21+s8+$0x0], $0xffff;
	v30 =	vadd.s32 $0x3600, v4;
	[tilespmem:s17+$0x11000] =	vst v14  }
0x174: {  	v27 =	vadd.s32 $0x3600, v0;
	v15 =	vld.idx.msk [tilespmem:v25+s8+$0x0], $0xffff;
	[tilespmem:s19+$0x11000] =	vst v10  }
0x175: {  	v31 =	vadd.s32 $0x3600, v5;
	[tilespmem:s13+$0x11800] =	vst v7;
	v8 =	vld.idx.msk [tilespmem:v26+s8+$0x0], $0xffff  }
0x176: {  	v33 =	vadd.s32 $0x3600, v6;
	v9 =	vld.idx.msk [tilespmem:v28+s8+$0x0], $0xffff;
	[tilespmem:s15+$0x11800] =	vst v11  }
0x177: {  	v35 =	vadd.s32 $0x3800, v1;
	v12 =	vld.idx.msk [tilespmem:v29+s8+$0x0], $0xffff;
	[tilespmem:s16+$0x11800] =	vst v13  }
0x178: {  	[tilespmem:s14+$0x14000] =	vst v2;
	v36 =	vadd.s32 $0x3800, v3;
	v14 =	vld.idx.msk [tilespmem:v30+s8+$0x0], $0xffff  }
0x179: {  	v37 =	vadd.s32 $0x3800, v4;
	v32 =	vld.idx.msk [tilespmem:v27+s8+$0x0], $0xffff;
	[tilespmem:s17+$0x11800] =	vst v15  }
0x17a: {  	v34 =	vadd.s32 $0x3800, v0;
	v2 =	vld.idx.msk [tilespmem:v31+s8+$0x0], $0xffff;
	[tilespmem:s19+$0x11800] =	vst v8  }
0x17b: {  	v38 =	vadd.s32 $0x3800, v5;
	[tilespmem:s13+$0x12000] =	vst v9;
	v7 =	vld.idx.msk [tilespmem:v33+s8+$0x0], $0xffff  }
0x17c: {  	v39 =	vadd.s32 $0x3800, v6;
	v11 =	vld.idx.msk [tilespmem:v35+s8+$0x0], $0xffff;
	[tilespmem:s15+$0x12000] =	vst v12  }
0x17d: {  	v41 =	vadd.s32 $0x3A00, v1;
	v13 =	vld.idx.msk [tilespmem:v36+s8+$0x0], $0xffff;
	[tilespmem:s16+$0x12000] =	vst v14  }
0x17e: {  	v42 =	vadd.s32 $0x3A00, v3;
	[tilespmem:s12+$0x12000] =	vst v32;
	v15 =	vld.idx.msk [tilespmem:v37+s8+$0x0], $0xffff  }
0x17f: {  	v43 =	vadd.s32 $0x3A00, v4;
	v10 =	vld.idx.msk [tilespmem:v34+s8+$0x0], $0xffff;
	[tilespmem:s17+$0x12000] =	vst v2  }
0x180: {  	v40 =	vadd.s32 $0x3A00, v0;
	v8 =	vld.idx.msk [tilespmem:v38+s8+$0x0], $0xffff;
	[tilespmem:s19+$0x12000] =	vst v7  }
0x181: {  	v44 =	vadd.s32 $0x3A00, v5;
	[tilespmem:s13+$0x12800] =	vst v11;
	v9 =	vld.idx.msk [tilespmem:v39+s8+$0x0], $0xffff  }
0x182: {  	v45 =	vadd.s32 $0x3A00, v6;
	v12 =	vld.idx.msk [tilespmem:v41+s8+$0x0], $0xffff;
	[tilespmem:s15+$0x12800] =	vst v13  }
0x183: {  	v47 =	vadd.s32 $0x3C00, v1;
	v14 =	vld.idx.msk [tilespmem:v42+s8+$0x0], $0xffff;
	[tilespmem:s16+$0x12800] =	vst v15  }
0x184: {  	v48 =	vadd.s32 $0x3C00, v3;
	[tilespmem:s12+$0x12800] =	vst v10;
	v2 =	vld.idx.msk [tilespmem:v43+s8+$0x0], $0xffff  }
0x185: {  	v49 =	vadd.s32 $0x3C00, v4;
	v10 =	vld.idx.msk [tilespmem:v40+s8+$0x0], $0xffff;
	[tilespmem:s17+$0x12800] =	vst v8  }
0x186: {  	v46 =	vadd.s32 $0x3C00, v0;
	v7 =	vld.idx.msk [tilespmem:v44+s8+$0x0], $0xffff;
	[tilespmem:s19+$0x12800] =	vst v9  }
0x187: {  	v50 =	vadd.s32 $0x3C00, v5;
	[tilespmem:s13+$0x13000] =	vst v12;
	v51 =	vld.idx.msk [tilespmem:v45+s8+$0x0], $0xffff  }
0x188: {  	v53 =	vadd.s32 $0x3C00, v6;
	v13 =	vld.idx.msk [tilespmem:v47+s8+$0x0], $0xffff;
	[tilespmem:s15+$0x13000] =	vst v14  }
0x189: {  	v55 =	vadd.s32 $0x3E00, v1;
	v14 =	vld.idx.msk [tilespmem:v48+s8+$0x0], $0xffff;
	[tilespmem:s16+$0x13000] =	vst v2  }
0x18a: {  	v56 =	vadd.s32 $0x3E00, v3;
	[tilespmem:s12+$0x13000] =	vst v10;
	v57 =	vld.idx.msk [tilespmem:v49+s8+$0x0], $0xffff  }
0x18b: {  	v58 =	vadd.s32 $0x3E00, v4;
	v52 =	vld.idx.msk [tilespmem:v46+s8+$0x0], $0xffff;
	[tilespmem:s17+$0x13000] =	vst v7  }
0x18c: {  	v54 =	vadd.s32 $0x3E00, v0;
	v7 =	vld.idx.msk [tilespmem:v50+s8+$0x0], $0xffff;
	[tilespmem:s19+$0x13000] =	vst v51  }
0x18d: {  	v59 =	vadd.s32 $0x3E00, v5;
	[tilespmem:s13+$0x13800] =	vst v13;
	v60 =	vld.idx.msk [tilespmem:v53+s8+$0x0], $0xffff  }
0x18e: {  	v61 =	vadd.s32 $0x3E00, v6;
	v1 =	vld.idx.msk [tilespmem:v55+s8+$0x0], $0xffff;
	[tilespmem:s15+$0x13800] =	vst v14  }
0x18f: {  	v2 =	vld.idx.msk [tilespmem:v56+s8+$0x0], $0xffff;
	[tilespmem:s16+$0x13800] =	vst v57  }
0x190: {  	[tilespmem:s12+$0x13800] =	vst v52;
	v3 =	vld.idx.msk [tilespmem:v58+s8+$0x0], $0xffff  }
0x191: {  	v0 =	vld.idx.msk [tilespmem:v54+s8+$0x0], $0xffff;
	[tilespmem:s17+$0x13800] =	vst v7  }
0x192: {  	v62 =	vld.idx.msk [tilespmem:v59+s8+$0x0], $0xffff;
	[tilespmem:s19+$0x13800] =	vst v60  }
0x193: {  	[tilespmem:s13+$0x14000] =	vst v1;
	v63 =	vld.idx.msk [tilespmem:v61+s8+$0x0], $0xffff  }
0x194: {  	[tilespmem:s15+$0x14000] =	vst v2  }
0x195: {  	[tilespmem:s16+$0x14000] =	vst v3  }
0x196: {  	s11 =	sadd.s32 $0x1, s11;
	[tilespmem:s12+$0x14000] =	vst v0  }
0x197: {  	p0 =	sne.s32 s11, s7;
	[tilespmem:s17+$0x14000] =	vst v62  }
.Ltmp1:
0x198: {  	[tilespmem:s19+$0x14000] =	vst v63;
	(pc) =	sbr.rel @p0 .LBB2_1-.Ltmp1, $4  }
0x199: {  	[hbm4b:s6+s8] =	stream.strided.scatter [tilespmem:s10], [sflag:$0x1], $0x10000, s9, s8, $0x38;
	[tilespmem:$0x14800] =	vst v63  }
0x19a: {  	_ =	swait.ge [sflag:s4], $0x10000  }
0x19b: {  	[sflag:s4] =	ssyncset.done $0x0  }
0x19c: {  	[sflag:s4] =	ssyncadd.s32 $0xFFFF0000  }
0x19d: {  	_ =	sfence.sel $0x180000  }
0x19e: {  	[bflag:$0x0] =	sbarrier.arrive $0xFFFF  }
0x19f: {  	p0 =	sne.s32 s0, $0x0;
	_ =	strace $0x90000047  }
0x1a0: {  	s0 =	sadd.s32 @!p0 $0x100000, s1;
	[bflag:$0x2] =	sbarrier.arrive $0xFFFF  }
0x1a1: {  	[sflag:s0] =	ssyncadd.tile.s32 @!p0 $0x1;
	_ =	shalt  }
.Lfunc_end2:
_tile_overlayer_lowered:
.L_overlay_start_2:
0x1a2: {  	(tag) =	ssettag $0x2  }
0x1a3: {  	s0 =	rddreg [dreg:$0x0];
	s2 =	stileid.u32  }
0x1a4: {  	s1 =	rddreg [dreg:$0x1];
	p0 =	sne.s32 s2, $0x0  }
0x1a5: {  	s3 =	rddreg [dreg:$0x2];
	[bflag:$0x3] =	sbarrier.arrive $0xFFFF;
	s2 =	simm.s32 @!p0 $0x1C01  }
0x1a6: {  	[timem:s3], [sflag:s2] =	dma.local @!p0 [hbm:s0], s1  }
0x1a7: {  	s0 =	simm.s32 @!p0 $0x1  }
0x1a8: {  	_ =	swait.ge @!p0 [sflag:s0], s1  }
0x1a9: {  	s1 =	ssub.s32 @!p0 $0x0, s1;
	[sflag:s0] =	ssyncset.done @!p0 $0x0  }
0x1aa: {  	[sflag:s0] =	ssyncadd.s32 @!p0 s1  }
0x1ab: {  	[bflag:$0x3] =	sbarrier.arrive $0xFFFF  }
0x1ac: {  	_ =	shalt  }

</sc_bundles>
